<compile_context>
chip_gen: v7x
topology: tpu7x:2x2x1
jax: 0.10.2.dev20260603
libtpu: 0.0.44.dev20260713+nightly
codegen_flags: <defaults>
</compile_context>

<pallas_src>
import functools

import jax
import jax.numpy as jnp
from jax import lax
from jax.experimental import pallas as pl
from jax.experimental.pallas import tpu as pltpu
from jax.experimental.pallas import tpu_sc as plsc

NSTATE = 64
TLEN = 2048
LANES = 16
UNROLL = 23


def _sc_body(x_hbm, as_hbm, au_hbm, s_hbm, phi_hbm, a_hbm, ii_hbm, s0_hbm,
             out_hbm, x_v, vec_v, sc_v, outv, sem):
    num_cores = plsc.get_sparse_core_info().num_cores
    wid = lax.axis_index("s") * num_cores + lax.axis_index("c")

    @pl.when(wid == 0)
    def _():
        copies = [
            pltpu.async_copy(x_hbm, x_v.at[pl.ds(0, TLEN)], sem),
            pltpu.async_copy(s_hbm, vec_v.at[pl.ds(0, NSTATE)], sem),
            pltpu.async_copy(a_hbm, vec_v.at[pl.ds(NSTATE, NSTATE)], sem),
            pltpu.async_copy(ii_hbm, vec_v.at[pl.ds(2 * NSTATE, NSTATE)], sem),
            pltpu.async_copy(s0_hbm, vec_v.at[pl.ds(3 * NSTATE, NSTATE)], sem),
            pltpu.async_copy(as_hbm, sc_v.at[pl.ds(0, 1)], sem),
            pltpu.async_copy(au_hbm, sc_v.at[pl.ds(8, 1)], sem),
            pltpu.async_copy(phi_hbm, sc_v.at[pl.ds(16, 1)], sem),
        ]
        for c in copies:
            c.wait()

        lane = lax.iota(jnp.int32, LANES)
        lane0 = lane ^ lane

        scv = sc_v[pl.ds(0, LANES)]
        asv = scv.at[lane0].get(mode="promise_in_bounds")
        auv = scv.at[lane0 + 8].get(mode="promise_in_bounds")
        phiv = sc_v[pl.ds(16, LANES)].at[lane0].get(mode="promise_in_bounds")

        def lanesum(v):
            for sh in (8, 4, 2, 1):
                v = v + v.at[lane ^ sh].get(mode="promise_in_bounds")
            return v

        pp = jnp.zeros((LANES,), jnp.float32)
        qq = jnp.zeros((LANES,), jnp.float32)
        rr = jnp.zeros((LANES,), jnp.float32)
        dd = jnp.zeros((LANES,), jnp.float32)
        ww = jnp.zeros((LANES,), jnp.float32)
        for j in range(NSTATE // LANES):
            s_c = vec_v[pl.ds(j * LANES, LANES)]
            a_c = vec_v[pl.ds(NSTATE + j * LANES, LANES)]
            i_c = vec_v[pl.ds(2 * NSTATE + j * LANES, LANES)]
            s0_c = vec_v[pl.ds(3 * NSTATE + j * LANES, LANES)]
            pp = pp + s_c * s_c
            qq = qq + s_c * a_c
            rr = rr + a_c * a_c
            ds = s_c - s0_c
            dd = dd + ds * ds
            ww = ww + i_c * a_c

        pv = lanesum(pp)
        q2v = lanesum(qq)
        rv = lanesum(rr)
        d0v = lanesum(dd)
        wv = lanesum(ww)

        k0v = -asv * pv
        k1v = asv * (q2v + q2v)
        k2v = -asv * rv

        dx0 = phiv - x_v[pl.ds(0, LANES)]
        y0 = -auv * dx0 * dx0 - asv * d0v

        def rec_block(i, y):
            t0 = 1 + i * UNROLL
            for j in range(UNROLL):
                e = jnp.exp(y)
                v = e * e
                xc = x_v[pl.ds(t0 + j, LANES)]
                dxt = phiv - xc
                bt = k0v - auv * dxt * dxt
                y = (bt + k1v * e) + k2v * v
            return y

        y = lax.fori_loop(0, (TLEN - 1) // UNROLL, rec_block, y0)

        outv[...] = jnp.exp(y) * wv
        pltpu.sync_copy(outv.at[pl.ds(0, 1)], out_hbm)


@jax.jit
def _run(x_flat, as1, au1, s64, phi1, a64, ii64, s064):
    mesh = plsc.VectorSubcoreMesh(core_axis_name="c", subcore_axis_name="s",
                                  num_cores=1, num_subcores=1)
    f = functools.partial(
        pl.kernel,
        mesh=mesh,
        out_type=jax.ShapeDtypeStruct((1,), jnp.float32),
        scratch_types=[
            pltpu.VMEM((TLEN + LANES,), jnp.float32),
            pltpu.VMEM((4 * NSTATE,), jnp.float32),
            pltpu.VMEM((2 * LANES,), jnp.float32),
            pltpu.VMEM((LANES,), jnp.float32),
            pltpu.SemaphoreType.DMA,
        ],
    )(_sc_body)
    return f(x_flat, as1, au1, s64, phi1, a64, ii64, s064)


def kernel(x, _as, _au, S, Phi, A, II, initial_state):
    out1 = _run(x.reshape(TLEN), _as, _au, S.reshape(NSTATE),
                Phi.reshape(1), A.reshape(NSTATE), II.reshape(NSTATE),
                initial_state.reshape(NSTATE))
    return out1.reshape(1, 1)

# --- scband reference (transcript-rebuilt; emitter-appended) ---
"""Pipeline reference for scband-kaarma-54408645705882 (READ-ONLY COPY).

The authoritative reference and input builder live on the scoring server;
editing this copy changes nothing except your own understanding.
"""

import jax, jax.numpy as jnp
import numpy as np

NS = 64
NY = 1
AS = 0.5
AU = 0.5
T = 2048


def setup_inputs(seed: int = 0) -> dict:
    key = jax.random.key(seed)
    k0, k1, k2 = jax.random.split(key, 3)
    x = jax.random.normal(k0, (T, 1), dtype=jnp.float32)
    # initialization(): s = random (1, ns); initial_state and S are copies of s
    s = jax.random.uniform(k1, (1, NS), dtype=jnp.float32)
    S = s
    initial_state = s
    # phi = Tensor([0]) -> Phi = (1, 1) zeros
    Phi = jnp.zeros((1, 1), dtype=jnp.float32)
    # a = random (ns,) -> A = (1, ns)
    A = jax.random.uniform(k2, (1, NS), dtype=jnp.float32)
    # II: (ny, ns) zeros with identity in the last ny columns
    II = jnp.zeros((NY, NS), dtype=jnp.float32)
    II = II.at[:, NS - NY:].set(jnp.eye(NY, dtype=jnp.float32))
    _as = jnp.array([AS], dtype=jnp.float32)
    _au = jnp.array([AU], dtype=jnp.float32)
    return {"x": x, "_as": _as, "_au": _au, "S": S, "Phi": Phi, "A": A, "II": II, "initial_state": initial_state}


def reference(x, _as, _au, S, Phi, A, II, initial_state):
    # KAARMA.forward(x, ls=False): sequential recurrence over timesteps, return final out
    def step(state, inp):
        # state: (1, ns); inp: (1,)
        ks = jnp.exp(-_as * jnp.sum((S - state) ** 2, axis=1, keepdims=True))  # (1, 1)
        ku = jnp.exp(-_au * jnp.sum((Phi - inp) ** 2, axis=1, keepdims=True))  # (1, 1)
        new_state = jnp.matmul(A.T, ks * ku)  # (ns, 1)
        out = jnp.matmul(II, new_state)       # (ny, 1)
        return new_state.T, out
    final_state, outs = jax.lax.scan(step, initial_state, x)
    return outs[-1]

if __name__ == "__main__":
    import jax
    _d = setup_inputs()
    print(jax.jit(kernel)(*tuple(_d.values())))

</pallas_src>

<mosaic_0001>
#map = affine_map<(d0, d1) -> (0)>
module attributes {stable_mosaic.version = 14 : i64} {
  func.func @_sc_body(%arg0: i32, %arg1: i32, %arg2: memref<2048xf32, #tpu.memory_space<hbm>>, %arg3: memref<1xf32, #tpu.memory_space<hbm>>, %arg4: memref<1xf32, #tpu.memory_space<hbm>>, %arg5: memref<64xf32, #tpu.memory_space<hbm>>, %arg6: memref<1xf32, #tpu.memory_space<hbm>>, %arg7: memref<64xf32, #tpu.memory_space<hbm>>, %arg8: memref<64xf32, #tpu.memory_space<hbm>>, %arg9: memref<64xf32, #tpu.memory_space<hbm>>, %arg10: memref<1xf32, #tpu.memory_space<hbm>>, %arg11: memref<2064xf32, #tpu.memory_space<vmem>>, %arg12: memref<256xf32, #tpu.memory_space<vmem>>, %arg13: memref<32xf32, #tpu.memory_space<vmem>>, %arg14: memref<16xf32, #tpu.memory_space<vmem>>, %arg15: memref<!tpu.dma_semaphore, #tpu.memory_space<semaphore_mem>>) attributes {dimension_semantics = [#tpu.dimension_semantics<core_parallel>, #tpu.dimension_semantics<subcore_parallel>], iteration_bounds = array<i64: 1, 1>, scalar_prefetch = 0 : i64, scratch_operands = 5 : i64, tpu.core_type = #tpu.core_type<sc_vector_subcore>, window_params = [{transform_indices = #map}, {transform_indices = #map}, {transform_indices = #map}, {transform_indices = #map}, {transform_indices = #map}, {transform_indices = #map}, {transform_indices = #map}, {transform_indices = #map}, {transform_indices = #map}]} {
    %mul3A = arith.constant 2 : i32
    %mul3A_0 = arith.muli %arg1, %mul3A : i32
    %add3A = arith.addi %mul3A_0, %arg0 : i32
    %eq3A = arith.constant 0 : i32
    %eq3A_1 = arith.cmpi eq, %add3A, %eq3A : i32
    %convert_element_type3A = arith.extui %eq3A_1 : i1 to i32
    %cond3A = arith.constant 0 : i32
    %cond3A_2 = arith.cmpi ne, %convert_element_type3A, %cond3A : i32
    scf.if %cond3A_2 {
      %dma_start3A = arith.constant 0 : i32
      %dma_start3A_3 = tpu.memref_slice %arg11[%dma_start3A] : memref<2064xf32, #tpu.memory_space<vmem>> -> memref<2048xf32, #tpu.memory_space<vmem>>
      %dma_start3A_4 = arith.constant 0 : i32
      %dma_start3A_5 = tpu.memref_slice %arg11[%dma_start3A_4] : memref<2064xf32, #tpu.memory_space<vmem>> -> memref<2048xf32, #tpu.memory_space<vmem>>
      tpu.enqueue_dma source(%arg2 : memref<2048xf32, #tpu.memory_space<hbm>>) target(%dma_start3A_5 : memref<2048xf32, #tpu.memory_space<vmem>>) target_semaphore(%arg15 : memref<!tpu.dma_semaphore, #tpu.memory_space<semaphore_mem>>)
      %dma_start3A_6 = arith.constant 0 : i32
      %dma_start3A_7 = tpu.memref_slice %arg12[%dma_start3A_6] : memref<256xf32, #tpu.memory_space<vmem>> -> memref<64xf32, #tpu.memory_space<vmem>>
      %dma_start3A_8 = arith.constant 0 : i32
      %dma_start3A_9 = tpu.memref_slice %arg12[%dma_start3A_8] : memref<256xf32, #tpu.memory_space<vmem>> -> memref<64xf32, #tpu.memory_space<vmem>>
      tpu.enqueue_dma source(%arg5 : memref<64xf32, #tpu.memory_space<hbm>>) target(%dma_start3A_9 : memref<64xf32, #tpu.memory_space<vmem>>) target_semaphore(%arg15 : memref<!tpu.dma_semaphore, #tpu.memory_space<semaphore_mem>>)
      %dma_start3A_10 = arith.constant 64 : i32
      %dma_start3A_11 = tpu.memref_slice %arg12[%dma_start3A_10] : memref<256xf32, #tpu.memory_space<vmem>> -> memref<64xf32, #tpu.memory_space<vmem>>
      %dma_start3A_12 = arith.constant 64 : i32
      %dma_start3A_13 = tpu.memref_slice %arg12[%dma_start3A_12] : memref<256xf32, #tpu.memory_space<vmem>> -> memref<64xf32, #tpu.memory_space<vmem>>
      tpu.enqueue_dma source(%arg7 : memref<64xf32, #tpu.memory_space<hbm>>) target(%dma_start3A_13 : memref<64xf32, #tpu.memory_space<vmem>>) target_semaphore(%arg15 : memref<!tpu.dma_semaphore, #tpu.memory_space<semaphore_mem>>)
      %dma_start3A_14 = arith.constant 128 : i32
      %dma_start3A_15 = tpu.memref_slice %arg12[%dma_start3A_14] : memref<256xf32, #tpu.memory_space<vmem>> -> memref<64xf32, #tpu.memory_space<vmem>>
      %dma_start3A_16 = arith.constant 128 : i32
      %dma_start3A_17 = tpu.memref_slice %arg12[%dma_start3A_16] : memref<256xf32, #tpu.memory_space<vmem>> -> memref<64xf32, #tpu.memory_space<vmem>>
      tpu.enqueue_dma source(%arg8 : memref<64xf32, #tpu.memory_space<hbm>>) target(%dma_start3A_17 : memref<64xf32, #tpu.memory_space<vmem>>) target_semaphore(%arg15 : memref<!tpu.dma_semaphore, #tpu.memory_space<semaphore_mem>>)
      %dma_start3A_18 = arith.constant 192 : i32
      %dma_start3A_19 = tpu.memref_slice %arg12[%dma_start3A_18] : memref<256xf32, #tpu.memory_space<vmem>> -> memref<64xf32, #tpu.memory_space<vmem>>
      %dma_start3A_20 = arith.constant 192 : i32
      %dma_start3A_21 = tpu.memref_slice %arg12[%dma_start3A_20] : memref<256xf32, #tpu.memory_space<vmem>> -> memref<64xf32, #tpu.memory_space<vmem>>
      tpu.enqueue_dma source(%arg9 : memref<64xf32, #tpu.memory_space<hbm>>) target(%dma_start3A_21 : memref<64xf32, #tpu.memory_space<vmem>>) target_semaphore(%arg15 : memref<!tpu.dma_semaphore, #tpu.memory_space<semaphore_mem>>)
      %dma_start3A_22 = arith.constant 0 : i32
      %dma_start3A_23 = tpu.memref_slice %arg13[%dma_start3A_22] : memref<32xf32, #tpu.memory_space<vmem>> -> memref<1xf32, #tpu.memory_space<vmem>>
      %dma_start3A_24 = arith.constant 0 : i32
      %dma_start3A_25 = tpu.memref_slice %arg13[%dma_start3A_24] : memref<32xf32, #tpu.memory_space<vmem>> -> memref<1xf32, #tpu.memory_space<vmem>>
      tpu.enqueue_dma source(%arg3 : memref<1xf32, #tpu.memory_space<hbm>>) target(%dma_start3A_25 : memref<1xf32, #tpu.memory_space<vmem>>) target_semaphore(%arg15 : memref<!tpu.dma_semaphore, #tpu.memory_space<semaphore_mem>>)
      %dma_start3A_26 = arith.constant 8 : i32
      %dma_start3A_27 = tpu.memref_slice %arg13[%dma_start3A_26] : memref<32xf32, #tpu.memory_space<vmem>> -> memref<1xf32, #tpu.memory_space<vmem>>
      %dma_start3A_28 = arith.constant 8 : i32
      %dma_start3A_29 = tpu.memref_slice %arg13[%dma_start3A_28] : memref<32xf32, #tpu.memory_space<vmem>> -> memref<1xf32, #tpu.memory_space<vmem>>
      tpu.enqueue_dma source(%arg4 : memref<1xf32, #tpu.memory_space<hbm>>) target(%dma_start3A_29 : memref<1xf32, #tpu.memory_space<vmem>>) target_semaphore(%arg15 : memref<!tpu.dma_semaphore, #tpu.memory_space<semaphore_mem>>)
      %dma_start3A_30 = arith.constant 16 : i32
      %dma_start3A_31 = tpu.memref_slice %arg13[%dma_start3A_30] : memref<32xf32, #tpu.memory_space<vmem>> -> memref<1xf32, #tpu.memory_space<vmem>>
      %dma_start3A_32 = arith.constant 16 : i32
      %dma_start3A_33 = tpu.memref_slice %arg13[%dma_start3A_32] : memref<32xf32, #tpu.memory_space<vmem>> -> memref<1xf32, #tpu.memory_space<vmem>>
      tpu.enqueue_dma source(%arg6 : memref<1xf32, #tpu.memory_space<hbm>>) target(%dma_start3A_33 : memref<1xf32, #tpu.memory_space<vmem>>) target_semaphore(%arg15 : memref<!tpu.dma_semaphore, #tpu.memory_space<semaphore_mem>>)
      %dma_wait3A = arith.constant 0 : i32
      %dma_wait3A_34 = tpu.memref_slice %arg11[%dma_wait3A] : memref<2064xf32, #tpu.memory_space<vmem>> -> memref<2048xf32, #tpu.memory_space<vmem>>
      %dma_wait3A_35 = arith.constant 0 : i32
      %dma_wait3A_36 = tpu.memref_slice %arg11[%dma_wait3A_35] : memref<2064xf32, #tpu.memory_space<vmem>> -> memref<2048xf32, #tpu.memory_space<vmem>>
      tpu.wait_dma2 semaphore(%arg15 : memref<!tpu.dma_semaphore, #tpu.memory_space<semaphore_mem>>) src(%arg2 : memref<2048xf32, #tpu.memory_space<hbm>>) dst(%dma_wait3A_36 : memref<2048xf32, #tpu.memory_space<vmem>>)
      %dma_wait3A_37 = arith.constant 0 : i32
      %dma_wait3A_38 = tpu.memref_slice %arg12[%dma_wait3A_37] : memref<256xf32, #tpu.memory_space<vmem>> -> memref<64xf32, #tpu.memory_space<vmem>>
      %dma_wait3A_39 = arith.constant 0 : i32
      %dma_wait3A_40 = tpu.memref_slice %arg12[%dma_wait3A_39] : memref<256xf32, #tpu.memory_space<vmem>> -> memref<64xf32, #tpu.memory_space<vmem>>
      tpu.wait_dma2 semaphore(%arg15 : memref<!tpu.dma_semaphore, #tpu.memory_space<semaphore_mem>>) src(%arg5 : memref<64xf32, #tpu.memory_space<hbm>>) dst(%dma_wait3A_40 : memref<64xf32, #tpu.memory_space<vmem>>)
      %dma_wait3A_41 = arith.constant 64 : i32
      %dma_wait3A_42 = tpu.memref_slice %arg12[%dma_wait3A_41] : memref<256xf32, #tpu.memory_space<vmem>> -> memref<64xf32, #tpu.memory_space<vmem>>
      %dma_wait3A_43 = arith.constant 64 : i32
      %dma_wait3A_44 = tpu.memref_slice %arg12[%dma_wait3A_43] : memref<256xf32, #tpu.memory_space<vmem>> -> memref<64xf32, #tpu.memory_space<vmem>>
      tpu.wait_dma2 semaphore(%arg15 : memref<!tpu.dma_semaphore, #tpu.memory_space<semaphore_mem>>) src(%arg7 : memref<64xf32, #tpu.memory_space<hbm>>) dst(%dma_wait3A_44 : memref<64xf32, #tpu.memory_space<vmem>>)
      %dma_wait3A_45 = arith.constant 128 : i32
      %dma_wait3A_46 = tpu.memref_slice %arg12[%dma_wait3A_45] : memref<256xf32, #tpu.memory_space<vmem>> -> memref<64xf32, #tpu.memory_space<vmem>>
      %dma_wait3A_47 = arith.constant 128 : i32
      %dma_wait3A_48 = tpu.memref_slice %arg12[%dma_wait3A_47] : memref<256xf32, #tpu.memory_space<vmem>> -> memref<64xf32, #tpu.memory_space<vmem>>
      tpu.wait_dma2 semaphore(%arg15 : memref<!tpu.dma_semaphore, #tpu.memory_space<semaphore_mem>>) src(%arg8 : memref<64xf32, #tpu.memory_space<hbm>>) dst(%dma_wait3A_48 : memref<64xf32, #tpu.memory_space<vmem>>)
      %dma_wait3A_49 = arith.constant 192 : i32
      %dma_wait3A_50 = tpu.memref_slice %arg12[%dma_wait3A_49] : memref<256xf32, #tpu.memory_space<vmem>> -> memref<64xf32, #tpu.memory_space<vmem>>
      %dma_wait3A_51 = arith.constant 192 : i32
      %dma_wait3A_52 = tpu.memref_slice %arg12[%dma_wait3A_51] : memref<256xf32, #tpu.memory_space<vmem>> -> memref<64xf32, #tpu.memory_space<vmem>>
      tpu.wait_dma2 semaphore(%arg15 : memref<!tpu.dma_semaphore, #tpu.memory_space<semaphore_mem>>) src(%arg9 : memref<64xf32, #tpu.memory_space<hbm>>) dst(%dma_wait3A_52 : memref<64xf32, #tpu.memory_space<vmem>>)
      %dma_wait3A_53 = arith.constant 0 : i32
      %dma_wait3A_54 = tpu.memref_slice %arg13[%dma_wait3A_53] : memref<32xf32, #tpu.memory_space<vmem>> -> memref<1xf32, #tpu.memory_space<vmem>>
      %dma_wait3A_55 = arith.constant 0 : i32
      %dma_wait3A_56 = tpu.memref_slice %arg13[%dma_wait3A_55] : memref<32xf32, #tpu.memory_space<vmem>> -> memref<1xf32, #tpu.memory_space<vmem>>
      tpu.wait_dma2 semaphore(%arg15 : memref<!tpu.dma_semaphore, #tpu.memory_space<semaphore_mem>>) src(%arg3 : memref<1xf32, #tpu.memory_space<hbm>>) dst(%dma_wait3A_56 : memref<1xf32, #tpu.memory_space<vmem>>)
      %dma_wait3A_57 = arith.constant 8 : i32
      %dma_wait3A_58 = tpu.memref_slice %arg13[%dma_wait3A_57] : memref<32xf32, #tpu.memory_space<vmem>> -> memref<1xf32, #tpu.memory_space<vmem>>
      %dma_wait3A_59 = arith.constant 8 : i32
      %dma_wait3A_60 = tpu.memref_slice %arg13[%dma_wait3A_59] : memref<32xf32, #tpu.memory_space<vmem>> -> memref<1xf32, #tpu.memory_space<vmem>>
      tpu.wait_dma2 semaphore(%arg15 : memref<!tpu.dma_semaphore, #tpu.memory_space<semaphore_mem>>) src(%arg4 : memref<1xf32, #tpu.memory_space<hbm>>) dst(%dma_wait3A_60 : memref<1xf32, #tpu.memory_space<vmem>>)
      %dma_wait3A_61 = arith.constant 16 : i32
      %dma_wait3A_62 = tpu.memref_slice %arg13[%dma_wait3A_61] : memref<32xf32, #tpu.memory_space<vmem>> -> memref<1xf32, #tpu.memory_space<vmem>>
      %dma_wait3A_63 = arith.constant 16 : i32
      %dma_wait3A_64 = tpu.memref_slice %arg13[%dma_wait3A_63] : memref<32xf32, #tpu.memory_space<vmem>> -> memref<1xf32, #tpu.memory_space<vmem>>
      tpu.wait_dma2 semaphore(%arg15 : memref<!tpu.dma_semaphore, #tpu.memory_space<semaphore_mem>>) src(%arg6 : memref<1xf32, #tpu.memory_space<hbm>>) dst(%dma_wait3A_64 : memref<1xf32, #tpu.memory_space<vmem>>)
      %iota3A = tpu.iota {dimensions = array<i32: 0>} : vector<16xi32>
      %xor3A = arith.xori %iota3A, %iota3A : vector<16xi32>
      %get3A = arith.constant 0 : index
      %get3A_65 = tpu.vector_load %arg13[%get3A] {strides = array<i32>} : memref<32xf32, #tpu.memory_space<vmem>>, vector<16xf32>,
      %get3A_66 = vector.shape_cast %get3A_65 : vector<16xf32> to vector<16xf32>
      %lt3A = arith.constant 0 : i32
      %lt3A_67 = vector.broadcast %lt3A : i32 to vector<16xi32>
      %lt3A_68 = arith.cmpi slt, %xor3A, %lt3A_67 : vector<16xi32>
      %add3A_69 = arith.constant 16 : i32
      %add3A_70 = vector.broadcast %add3A_69 : i32 to vector<16xi32>
      %add3A_71 = arith.addi %xor3A, %add3A_70 : vector<16xi32>
      %select_n3A = arith.select %lt3A_68, %add3A_71, %xor3A : vector<16xi1>, vector<16xi32>
      %broadcast_in_dim3A = vector.shape_cast %select_n3A : vector<16xi32> to vector<16x1xi32>
      %gather3A = vector.shape_cast %broadcast_in_dim3A : vector<16x1xi32> to vector<16xi32>
      %gather3A_72 = tpu.dynamic_gather %get3A_66[%gather3A] in [0] : vector<16xf32>, vector<16xi32> -> vector<16xf32>
      %add3A_73 = arith.constant 8 : i32
      %add3A_74 = vector.broadcast %add3A_73 : i32 to vector<16xi32>
      %add3A_75 = arith.addi %xor3A, %add3A_74 : vector<16xi32>
      %lt3A_76 = arith.constant 0 : i32
      %lt3A_77 = vector.broadcast %lt3A_76 : i32 to vector<16xi32>
      %lt3A_78 = arith.cmpi slt, %add3A_75, %lt3A_77 : vector<16xi32>
      %add3A_79 = arith.constant 16 : i32
      %add3A_80 = vector.broadcast %add3A_79 : i32 to vector<16xi32>
      %add3A_81 = arith.addi %add3A_75, %add3A_80 : vector<16xi32>
      %select_n3A_82 = arith.select %lt3A_78, %add3A_81, %add3A_75 : vector<16xi1>, vector<16xi32>
      %broadcast_in_dim3A_83 = vector.shape_cast %select_n3A_82 : vector<16xi32> to vector<16x1xi32>
      %gather3A_84 = vector.shape_cast %broadcast_in_dim3A_83 : vector<16x1xi32> to vector<16xi32>
      %gather3A_85 = tpu.dynamic_gather %get3A_66[%gather3A_84] in [0] : vector<16xf32>, vector<16xi32> -> vector<16xf32>
      %get3A_86 = arith.constant 16 : index
      %get3A_87 = tpu.vector_load %arg13[%get3A_86] {strides = array<i32>} : memref<32xf32, #tpu.memory_space<vmem>>, vector<16xf32>,
      %get3A_88 = vector.shape_cast %get3A_87 : vector<16xf32> to vector<16xf32>
      %lt3A_89 = arith.constant 0 : i32
      %lt3A_90 = vector.broadcast %lt3A_89 : i32 to vector<16xi32>
      %lt3A_91 = arith.cmpi slt, %xor3A, %lt3A_90 : vector<16xi32>
      %add3A_92 = arith.constant 16 : i32
      %add3A_93 = vector.broadcast %add3A_92 : i32 to vector<16xi32>
      %add3A_94 = arith.addi %xor3A, %add3A_93 : vector<16xi32>
      %select_n3A_95 = arith.select %lt3A_91, %add3A_94, %xor3A : vector<16xi1>, vector<16xi32>
      %broadcast_in_dim3A_96 = vector.shape_cast %select_n3A_95 : vector<16xi32> to vector<16x1xi32>
      %gather3A_97 = vector.shape_cast %broadcast_in_dim3A_96 : vector<16x1xi32> to vector<16xi32>
      %gather3A_98 = tpu.dynamic_gather %get3A_88[%gather3A_97] in [0] : vector<16xf32>, vector<16xi32> -> vector<16xf32>
      %broadcast_in_dim3A_99 = arith.constant 0.000000e+00 : f32
      %broadcast_in_dim3A_100 = vector.broadcast %broadcast_in_dim3A_99 : f32 to vector<16xf32>
      %broadcast_in_dim3A_101 = arith.constant 0.000000e+00 : f32
      %broadcast_in_dim3A_102 = vector.broadcast %broadcast_in_dim3A_101 : f32 to vector<16xf32>
      %broadcast_in_dim3A_103 = arith.constant 0.000000e+00 : f32
      %broadcast_in_dim3A_104 = vector.broadcast %broadcast_in_dim3A_103 : f32 to vector<16xf32>
      %broadcast_in_dim3A_105 = arith.constant 0.000000e+00 : f32
      %broadcast_in_dim3A_106 = vector.broadcast %broadcast_in_dim3A_105 : f32 to vector<16xf32>
      %broadcast_in_dim3A_107 = arith.constant 0.000000e+00 : f32
      %broadcast_in_dim3A_108 = vector.broadcast %broadcast_in_dim3A_107 : f32 to vector<16xf32>
      %get3A_109 = arith.constant 0 : index
      %get3A_110 = tpu.vector_load %arg12[%get3A_109] {strides = array<i32>} : memref<256xf32, #tpu.memory_space<vmem>>, vector<16xf32>,
      %get3A_111 = vector.shape_cast %get3A_110 : vector<16xf32> to vector<16xf32>
      %get3A_112 = arith.constant 64 : index
      %get3A_113 = tpu.vector_load %arg12[%get3A_112] {strides = array<i32>} : memref<256xf32, #tpu.memory_space<vmem>>, vector<16xf32>,
      %get3A_114 = vector.shape_cast %get3A_113 : vector<16xf32> to vector<16xf32>
      %get3A_115 = arith.constant 128 : index
      %get3A_116 = tpu.vector_load %arg12[%get3A_115] {strides = array<i32>} : memref<256xf32, #tpu.memory_space<vmem>>, vector<16xf32>,
      %get3A_117 = vector.shape_cast %get3A_116 : vector<16xf32> to vector<16xf32>
      %get3A_118 = arith.constant 192 : index
      %get3A_119 = tpu.vector_load %arg12[%get3A_118] {strides = array<i32>} : memref<256xf32, #tpu.memory_space<vmem>>, vector<16xf32>,
      %get3A_120 = vector.shape_cast %get3A_119 : vector<16xf32> to vector<16xf32>
      %mul3A_121 = arith.mulf %get3A_111, %get3A_111 : vector<16xf32>
      %add3A_122 = arith.addf %broadcast_in_dim3A_100, %mul3A_121 : vector<16xf32>
      %mul3A_123 = arith.mulf %get3A_111, %get3A_114 : vector<16xf32>
      %add3A_124 = arith.addf %broadcast_in_dim3A_102, %mul3A_123 : vector<16xf32>
      %mul3A_125 = arith.mulf %get3A_114, %get3A_114 : vector<16xf32>
      %add3A_126 = arith.addf %broadcast_in_dim3A_104, %mul3A_125 : vector<16xf32>
      %sub3A = arith.subf %get3A_111, %get3A_120 : vector<16xf32>
      %mul3A_127 = arith.mulf %sub3A, %sub3A : vector<16xf32>
      %add3A_128 = arith.addf %broadcast_in_dim3A_106, %mul3A_127 : vector<16xf32>
      %mul3A_129 = arith.mulf %get3A_117, %get3A_114 : vector<16xf32>
      %add3A_130 = arith.addf %broadcast_in_dim3A_108, %mul3A_129 : vector<16xf32>
      %get3A_131 = arith.constant 16 : index
      %get3A_132 = tpu.vector_load %arg12[%get3A_131] {strides = array<i32>} : memref<256xf32, #tpu.memory_space<vmem>>, vector<16xf32>,
      %get3A_133 = vector.shape_cast %get3A_132 : vector<16xf32> to vector<16xf32>
      %get3A_134 = arith.constant 80 : index
      %get3A_135 = tpu.vector_load %arg12[%get3A_134] {strides = array<i32>} : memref<256xf32, #tpu.memory_space<vmem>>, vector<16xf32>,
      %get3A_136 = vector.shape_cast %get3A_135 : vector<16xf32> to vector<16xf32>
      %get3A_137 = arith.constant 144 : index
      %get3A_138 = tpu.vector_load %arg12[%get3A_137] {strides = array<i32>} : memref<256xf32, #tpu.memory_space<vmem>>, vector<16xf32>,
      %get3A_139 = vector.shape_cast %get3A_138 : vector<16xf32> to vector<16xf32>
      %get3A_140 = arith.constant 208 : index
      %get3A_141 = tpu.vector_load %arg12[%get3A_140] {strides = array<i32>} : memref<256xf32, #tpu.memory_space<vmem>>, vector<16xf32>,
      %get3A_142 = vector.shape_cast %get3A_141 : vector<16xf32> to vector<16xf32>
      %mul3A_143 = arith.mulf %get3A_133, %get3A_133 : vector<16xf32>
      %add3A_144 = arith.addf %add3A_122, %mul3A_143 : vector<16xf32>
      %mul3A_145 = arith.mulf %get3A_133, %get3A_136 : vector<16xf32>
      %add3A_146 = arith.addf %add3A_124, %mul3A_145 : vector<16xf32>
      %mul3A_147 = arith.mulf %get3A_136, %get3A_136 : vector<16xf32>
      %add3A_148 = arith.addf %add3A_126, %mul3A_147 : vector<16xf32>
      %sub3A_149 = arith.subf %get3A_133, %get3A_142 : vector<16xf32>
      %mul3A_150 = arith.mulf %sub3A_149, %sub3A_149 : vector<16xf32>
      %add3A_151 = arith.addf %add3A_128, %mul3A_150 : vector<16xf32>
      %mul3A_152 = arith.mulf %get3A_139, %get3A_136 : vector<16xf32>
      %add3A_153 = arith.addf %add3A_130, %mul3A_152 : vector<16xf32>
      %get3A_154 = arith.constant 32 : index
      %get3A_155 = tpu.vector_load %arg12[%get3A_154] {strides = array<i32>} : memref<256xf32, #tpu.memory_space<vmem>>, vector<16xf32>,
      %get3A_156 = vector.shape_cast %get3A_155 : vector<16xf32> to vector<16xf32>
      %get3A_157 = arith.constant 96 : index
      %get3A_158 = tpu.vector_load %arg12[%get3A_157] {strides = array<i32>} : memref<256xf32, #tpu.memory_space<vmem>>, vector<16xf32>,
      %get3A_159 = vector.shape_cast %get3A_158 : vector<16xf32> to vector<16xf32>
      %get3A_160 = arith.constant 160 : index
      %get3A_161 = tpu.vector_load %arg12[%get3A_160] {strides = array<i32>} : memref<256xf32, #tpu.memory_space<vmem>>, vector<16xf32>,
      %get3A_162 = vector.shape_cast %get3A_161 : vector<16xf32> to vector<16xf32>
      %get3A_163 = arith.constant 224 : index
      %get3A_164 = tpu.vector_load %arg12[%get3A_163] {strides = array<i32>} : memref<256xf32, #tpu.memory_space<vmem>>, vector<16xf32>,
      %get3A_165 = vector.shape_cast %get3A_164 : vector<16xf32> to vector<16xf32>
      %mul3A_166 = arith.mulf %get3A_156, %get3A_156 : vector<16xf32>
      %add3A_167 = arith.addf %add3A_144, %mul3A_166 : vector<16xf32>
      %mul3A_168 = arith.mulf %get3A_156, %get3A_159 : vector<16xf32>
      %add3A_169 = arith.addf %add3A_146, %mul3A_168 : vector<16xf32>
      %mul3A_170 = arith.mulf %get3A_159, %get3A_159 : vector<16xf32>
      %add3A_171 = arith.addf %add3A_148, %mul3A_170 : vector<16xf32>
      %sub3A_172 = arith.subf %get3A_156, %get3A_165 : vector<16xf32>
      %mul3A_173 = arith.mulf %sub3A_172, %sub3A_172 : vector<16xf32>
      %add3A_174 = arith.addf %add3A_151, %mul3A_173 : vector<16xf32>
      %mul3A_175 = arith.mulf %get3A_162, %get3A_159 : vector<16xf32>
      %add3A_176 = arith.addf %add3A_153, %mul3A_175 : vector<16xf32>
      %get3A_177 = arith.constant 48 : index
      %get3A_178 = tpu.vector_load %arg12[%get3A_177] {strides = array<i32>} : memref<256xf32, #tpu.memory_space<vmem>>, vector<16xf32>,
      %get3A_179 = vector.shape_cast %get3A_178 : vector<16xf32> to vector<16xf32>
      %get3A_180 = arith.constant 112 : index
      %get3A_181 = tpu.vector_load %arg12[%get3A_180] {strides = array<i32>} : memref<256xf32, #tpu.memory_space<vmem>>, vector<16xf32>,
      %get3A_182 = vector.shape_cast %get3A_181 : vector<16xf32> to vector<16xf32>
      %get3A_183 = arith.constant 176 : index
      %get3A_184 = tpu.vector_load %arg12[%get3A_183] {strides = array<i32>} : memref<256xf32, #tpu.memory_space<vmem>>, vector<16xf32>,
      %get3A_185 = vector.shape_cast %get3A_184 : vector<16xf32> to vector<16xf32>
      %get3A_186 = arith.constant 240 : index
      %get3A_187 = tpu.vector_load %arg12[%get3A_186] {strides = array<i32>} : memref<256xf32, #tpu.memory_space<vmem>>, vector<16xf32>,
      %get3A_188 = vector.shape_cast %get3A_187 : vector<16xf32> to vector<16xf32>
      %mul3A_189 = arith.mulf %get3A_179, %get3A_179 : vector<16xf32>
      %add3A_190 = arith.addf %add3A_167, %mul3A_189 : vector<16xf32>
      %mul3A_191 = arith.mulf %get3A_179, %get3A_182 : vector<16xf32>
      %add3A_192 = arith.addf %add3A_169, %mul3A_191 : vector<16xf32>
      %mul3A_193 = arith.mulf %get3A_182, %get3A_182 : vector<16xf32>
      %add3A_194 = arith.addf %add3A_171, %mul3A_193 : vector<16xf32>
      %sub3A_195 = arith.subf %get3A_179, %get3A_188 : vector<16xf32>
      %mul3A_196 = arith.mulf %sub3A_195, %sub3A_195 : vector<16xf32>
      %add3A_197 = arith.addf %add3A_174, %mul3A_196 : vector<16xf32>
      %mul3A_198 = arith.mulf %get3A_185, %get3A_182 : vector<16xf32>
      %add3A_199 = arith.addf %add3A_176, %mul3A_198 : vector<16xf32>
      %xor3A_200 = arith.constant 8 : i32
      %xor3A_201 = vector.broadcast %xor3A_200 : i32 to vector<16xi32>
      %xor3A_202 = arith.xori %iota3A, %xor3A_201 : vector<16xi32>
      %lt3A_203 = arith.constant 0 : i32
      %lt3A_204 = vector.broadcast %lt3A_203 : i32 to vector<16xi32>
      %lt3A_205 = arith.cmpi slt, %xor3A_202, %lt3A_204 : vector<16xi32>
      %add3A_206 = arith.constant 16 : i32
      %add3A_207 = vector.broadcast %add3A_206 : i32 to vector<16xi32>
      %add3A_208 = arith.addi %xor3A_202, %add3A_207 : vector<16xi32>
      %select_n3A_209 = arith.select %lt3A_205, %add3A_208, %xor3A_202 : vector<16xi1>, vector<16xi32>
      %broadcast_in_dim3A_210 = vector.shape_cast %select_n3A_209 : vector<16xi32> to vector<16x1xi32>
      %gather3A_211 = vector.shape_cast %broadcast_in_dim3A_210 : vector<16x1xi32> to vector<16xi32>
      %gather3A_212 = tpu.dynamic_gather %add3A_190[%gather3A_211] in [0] : vector<16xf32>, vector<16xi32> -> vector<16xf32>
      %add3A_213 = arith.addf %add3A_190, %gather3A_212 : vector<16xf32>
      %xor3A_214 = arith.constant 4 : i32
      %xor3A_215 = vector.broadcast %xor3A_214 : i32 to vector<16xi32>
      %xor3A_216 = arith.xori %iota3A, %xor3A_215 : vector<16xi32>
      %lt3A_217 = arith.constant 0 : i32
      %lt3A_218 = vector.broadcast %lt3A_217 : i32 to vector<16xi32>
      %lt3A_219 = arith.cmpi slt, %xor3A_216, %lt3A_218 : vector<16xi32>
      %add3A_220 = arith.constant 16 : i32
      %add3A_221 = vector.broadcast %add3A_220 : i32 to vector<16xi32>
      %add3A_222 = arith.addi %xor3A_216, %add3A_221 : vector<16xi32>
      %select_n3A_223 = arith.select %lt3A_219, %add3A_222, %xor3A_216 : vector<16xi1>, vector<16xi32>
      %broadcast_in_dim3A_224 = vector.shape_cast %select_n3A_223 : vector<16xi32> to vector<16x1xi32>
      %gather3A_225 = vector.shape_cast %broadcast_in_dim3A_224 : vector<16x1xi32> to vector<16xi32>
      %gather3A_226 = tpu.dynamic_gather %add3A_213[%gather3A_225] in [0] : vector<16xf32>, vector<16xi32> -> vector<16xf32>
      %add3A_227 = arith.addf %add3A_213, %gather3A_226 : vector<16xf32>
      %xor3A_228 = arith.constant 2 : i32
      %xor3A_229 = vector.broadcast %xor3A_228 : i32 to vector<16xi32>
      %xor3A_230 = arith.xori %iota3A, %xor3A_229 : vector<16xi32>
      %lt3A_231 = arith.constant 0 : i32
      %lt3A_232 = vector.broadcast %lt3A_231 : i32 to vector<16xi32>
      %lt3A_233 = arith.cmpi slt, %xor3A_230, %lt3A_232 : vector<16xi32>
      %add3A_234 = arith.constant 16 : i32
      %add3A_235 = vector.broadcast %add3A_234 : i32 to vector<16xi32>
      %add3A_236 = arith.addi %xor3A_230, %add3A_235 : vector<16xi32>
      %select_n3A_237 = arith.select %lt3A_233, %add3A_236, %xor3A_230 : vector<16xi1>, vector<16xi32>
      %broadcast_in_dim3A_238 = vector.shape_cast %select_n3A_237 : vector<16xi32> to vector<16x1xi32>
      %gather3A_239 = vector.shape_cast %broadcast_in_dim3A_238 : vector<16x1xi32> to vector<16xi32>
      %gather3A_240 = tpu.dynamic_gather %add3A_227[%gather3A_239] in [0] : vector<16xf32>, vector<16xi32> -> vector<16xf32>
      %add3A_241 = arith.addf %add3A_227, %gather3A_240 : vector<16xf32>
      %xor3A_242 = arith.constant 1 : i32
      %xor3A_243 = vector.broadcast %xor3A_242 : i32 to vector<16xi32>
      %xor3A_244 = arith.xori %iota3A, %xor3A_243 : vector<16xi32>
      %lt3A_245 = arith.constant 0 : i32
      %lt3A_246 = vector.broadcast %lt3A_245 : i32 to vector<16xi32>
      %lt3A_247 = arith.cmpi slt, %xor3A_244, %lt3A_246 : vector<16xi32>
      %add3A_248 = arith.constant 16 : i32
      %add3A_249 = vector.broadcast %add3A_248 : i32 to vector<16xi32>
      %add3A_250 = arith.addi %xor3A_244, %add3A_249 : vector<16xi32>
      %select_n3A_251 = arith.select %lt3A_247, %add3A_250, %xor3A_244 : vector<16xi1>, vector<16xi32>
      %broadcast_in_dim3A_252 = vector.shape_cast %select_n3A_251 : vector<16xi32> to vector<16x1xi32>
      %gather3A_253 = vector.shape_cast %broadcast_in_dim3A_252 : vector<16x1xi32> to vector<16xi32>
      %gather3A_254 = tpu.dynamic_gather %add3A_241[%gather3A_253] in [0] : vector<16xf32>, vector<16xi32> -> vector<16xf32>
      %add3A_255 = arith.addf %add3A_241, %gather3A_254 : vector<16xf32>
      %xor3A_256 = arith.constant 8 : i32
      %xor3A_257 = vector.broadcast %xor3A_256 : i32 to vector<16xi32>
      %xor3A_258 = arith.xori %iota3A, %xor3A_257 : vector<16xi32>
      %lt3A_259 = arith.constant 0 : i32
      %lt3A_260 = vector.broadcast %lt3A_259 : i32 to vector<16xi32>
      %lt3A_261 = arith.cmpi slt, %xor3A_258, %lt3A_260 : vector<16xi32>
      %add3A_262 = arith.constant 16 : i32
      %add3A_263 = vector.broadcast %add3A_262 : i32 to vector<16xi32>
      %add3A_264 = arith.addi %xor3A_258, %add3A_263 : vector<16xi32>
      %select_n3A_265 = arith.select %lt3A_261, %add3A_264, %xor3A_258 : vector<16xi1>, vector<16xi32>
      %broadcast_in_dim3A_266 = vector.shape_cast %select_n3A_265 : vector<16xi32> to vector<16x1xi32>
      %gather3A_267 = vector.shape_cast %broadcast_in_dim3A_266 : vector<16x1xi32> to vector<16xi32>
      %gather3A_268 = tpu.dynamic_gather %add3A_192[%gather3A_267] in [0] : vector<16xf32>, vector<16xi32> -> vector<16xf32>
      %add3A_269 = arith.addf %add3A_192, %gather3A_268 : vector<16xf32>
      %xor3A_270 = arith.constant 4 : i32
      %xor3A_271 = vector.broadcast %xor3A_270 : i32 to vector<16xi32>
      %xor3A_272 = arith.xori %iota3A, %xor3A_271 : vector<16xi32>
      %lt3A_273 = arith.constant 0 : i32
      %lt3A_274 = vector.broadcast %lt3A_273 : i32 to vector<16xi32>
      %lt3A_275 = arith.cmpi slt, %xor3A_272, %lt3A_274 : vector<16xi32>
      %add3A_276 = arith.constant 16 : i32
      %add3A_277 = vector.broadcast %add3A_276 : i32 to vector<16xi32>
      %add3A_278 = arith.addi %xor3A_272, %add3A_277 : vector<16xi32>
      %select_n3A_279 = arith.select %lt3A_275, %add3A_278, %xor3A_272 : vector<16xi1>, vector<16xi32>
      %broadcast_in_dim3A_280 = vector.shape_cast %select_n3A_279 : vector<16xi32> to vector<16x1xi32>
      %gather3A_281 = vector.shape_cast %broadcast_in_dim3A_280 : vector<16x1xi32> to vector<16xi32>
      %gather3A_282 = tpu.dynamic_gather %add3A_269[%gather3A_281] in [0] : vector<16xf32>, vector<16xi32> -> vector<16xf32>
      %add3A_283 = arith.addf %add3A_269, %gather3A_282 : vector<16xf32>
      %xor3A_284 = arith.constant 2 : i32
      %xor3A_285 = vector.broadcast %xor3A_284 : i32 to vector<16xi32>
      %xor3A_286 = arith.xori %iota3A, %xor3A_285 : vector<16xi32>
      %lt3A_287 = arith.constant 0 : i32
      %lt3A_288 = vector.broadcast %lt3A_287 : i32 to vector<16xi32>
      %lt3A_289 = arith.cmpi slt, %xor3A_286, %lt3A_288 : vector<16xi32>
      %add3A_290 = arith.constant 16 : i32
      %add3A_291 = vector.broadcast %add3A_290 : i32 to vector<16xi32>
      %add3A_292 = arith.addi %xor3A_286, %add3A_291 : vector<16xi32>
      %select_n3A_293 = arith.select %lt3A_289, %add3A_292, %xor3A_286 : vector<16xi1>, vector<16xi32>
      %broadcast_in_dim3A_294 = vector.shape_cast %select_n3A_293 : vector<16xi32> to vector<16x1xi32>
      %gather3A_295 = vector.shape_cast %broadcast_in_dim3A_294 : vector<16x1xi32> to vector<16xi32>
      %gather3A_296 = tpu.dynamic_gather %add3A_283[%gather3A_295] in [0] : vector<16xf32>, vector<16xi32> -> vector<16xf32>
      %add3A_297 = arith.addf %add3A_283, %gather3A_296 : vector<16xf32>
      %xor3A_298 = arith.constant 1 : i32
      %xor3A_299 = vector.broadcast %xor3A_298 : i32 to vector<16xi32>
      %xor3A_300 = arith.xori %iota3A, %xor3A_299 : vector<16xi32>
      %lt3A_301 = arith.constant 0 : i32
      %lt3A_302 = vector.broadcast %lt3A_301 : i32 to vector<16xi32>
      %lt3A_303 = arith.cmpi slt, %xor3A_300, %lt3A_302 : vector<16xi32>
      %add3A_304 = arith.constant 16 : i32
      %add3A_305 = vector.broadcast %add3A_304 : i32 to vector<16xi32>
      %add3A_306 = arith.addi %xor3A_300, %add3A_305 : vector<16xi32>
      %select_n3A_307 = arith.select %lt3A_303, %add3A_306, %xor3A_300 : vector<16xi1>, vector<16xi32>
      %broadcast_in_dim3A_308 = vector.shape_cast %select_n3A_307 : vector<16xi32> to vector<16x1xi32>
      %gather3A_309 = vector.shape_cast %broadcast_in_dim3A_308 : vector<16x1xi32> to vector<16xi32>
      %gather3A_310 = tpu.dynamic_gather %add3A_297[%gather3A_309] in [0] : vector<16xf32>, vector<16xi32> -> vector<16xf32>
      %add3A_311 = arith.addf %add3A_297, %gather3A_310 : vector<16xf32>
      %xor3A_312 = arith.constant 8 : i32
      %xor3A_313 = vector.broadcast %xor3A_312 : i32 to vector<16xi32>
      %xor3A_314 = arith.xori %iota3A, %xor3A_313 : vector<16xi32>
      %lt3A_315 = arith.constant 0 : i32
      %lt3A_316 = vector.broadcast %lt3A_315 : i32 to vector<16xi32>
      %lt3A_317 = arith.cmpi slt, %xor3A_314, %lt3A_316 : vector<16xi32>
      %add3A_318 = arith.constant 16 : i32
      %add3A_319 = vector.broadcast %add3A_318 : i32 to vector<16xi32>
      %add3A_320 = arith.addi %xor3A_314, %add3A_319 : vector<16xi32>
      %select_n3A_321 = arith.select %lt3A_317, %add3A_320, %xor3A_314 : vector<16xi1>, vector<16xi32>
      %broadcast_in_dim3A_322 = vector.shape_cast %select_n3A_321 : vector<16xi32> to vector<16x1xi32>
      %gather3A_323 = vector.shape_cast %broadcast_in_dim3A_322 : vector<16x1xi32> to vector<16xi32>
      %gather3A_324 = tpu.dynamic_gather %add3A_194[%gather3A_323] in [0] : vector<16xf32>, vector<16xi32> -> vector<16xf32>
      %add3A_325 = arith.addf %add3A_194, %gather3A_324 : vector<16xf32>
      %xor3A_326 = arith.constant 4 : i32
      %xor3A_327 = vector.broadcast %xor3A_326 : i32 to vector<16xi32>
      %xor3A_328 = arith.xori %iota3A, %xor3A_327 : vector<16xi32>
      %lt3A_329 = arith.constant 0 : i32
      %lt3A_330 = vector.broadcast %lt3A_329 : i32 to vector<16xi32>
      %lt3A_331 = arith.cmpi slt, %xor3A_328, %lt3A_330 : vector<16xi32>
      %add3A_332 = arith.constant 16 : i32
      %add3A_333 = vector.broadcast %add3A_332 : i32 to vector<16xi32>
      %add3A_334 = arith.addi %xor3A_328, %add3A_333 : vector<16xi32>
      %select_n3A_335 = arith.select %lt3A_331, %add3A_334, %xor3A_328 : vector<16xi1>, vector<16xi32>
      %broadcast_in_dim3A_336 = vector.shape_cast %select_n3A_335 : vector<16xi32> to vector<16x1xi32>
      %gather3A_337 = vector.shape_cast %broadcast_in_dim3A_336 : vector<16x1xi32> to vector<16xi32>
      %gather3A_338 = tpu.dynamic_gather %add3A_325[%gather3A_337] in [0] : vector<16xf32>, vector<16xi32> -> vector<16xf32>
      %add3A_339 = arith.addf %add3A_325, %gather3A_338 : vector<16xf32>
      %xor3A_340 = arith.constant 2 : i32
      %xor3A_341 = vector.broadcast %xor3A_340 : i32 to vector<16xi32>
      %xor3A_342 = arith.xori %iota3A, %xor3A_341 : vector<16xi32>
      %lt3A_343 = arith.constant 0 : i32
      %lt3A_344 = vector.broadcast %lt3A_343 : i32 to vector<16xi32>
      %lt3A_345 = arith.cmpi slt, %xor3A_342, %lt3A_344 : vector<16xi32>
      %add3A_346 = arith.constant 16 : i32
      %add3A_347 = vector.broadcast %add3A_346 : i32 to vector<16xi32>
      %add3A_348 = arith.addi %xor3A_342, %add3A_347 : vector<16xi32>
      %select_n3A_349 = arith.select %lt3A_345, %add3A_348, %xor3A_342 : vector<16xi1>, vector<16xi32>
      %broadcast_in_dim3A_350 = vector.shape_cast %select_n3A_349 : vector<16xi32> to vector<16x1xi32>
      %gather3A_351 = vector.shape_cast %broadcast_in_dim3A_350 : vector<16x1xi32> to vector<16xi32>
      %gather3A_352 = tpu.dynamic_gather %add3A_339[%gather3A_351] in [0] : vector<16xf32>, vector<16xi32> -> vector<16xf32>
      %add3A_353 = arith.addf %add3A_339, %gather3A_352 : vector<16xf32>
      %xor3A_354 = arith.constant 1 : i32
      %xor3A_355 = vector.broadcast %xor3A_354 : i32 to vector<16xi32>
      %xor3A_356 = arith.xori %iota3A, %xor3A_355 : vector<16xi32>
      %lt3A_357 = arith.constant 0 : i32
      %lt3A_358 = vector.broadcast %lt3A_357 : i32 to vector<16xi32>
      %lt3A_359 = arith.cmpi slt, %xor3A_356, %lt3A_358 : vector<16xi32>
      %add3A_360 = arith.constant 16 : i32
      %add3A_361 = vector.broadcast %add3A_360 : i32 to vector<16xi32>
      %add3A_362 = arith.addi %xor3A_356, %add3A_361 : vector<16xi32>
      %select_n3A_363 = arith.select %lt3A_359, %add3A_362, %xor3A_356 : vector<16xi1>, vector<16xi32>
      %broadcast_in_dim3A_364 = vector.shape_cast %select_n3A_363 : vector<16xi32> to vector<16x1xi32>
      %gather3A_365 = vector.shape_cast %broadcast_in_dim3A_364 : vector<16x1xi32> to vector<16xi32>
      %gather3A_366 = tpu.dynamic_gather %add3A_353[%gather3A_365] in [0] : vector<16xf32>, vector<16xi32> -> vector<16xf32>
      %add3A_367 = arith.addf %add3A_353, %gather3A_366 : vector<16xf32>
      %xor3A_368 = arith.constant 8 : i32
      %xor3A_369 = vector.broadcast %xor3A_368 : i32 to vector<16xi32>
      %xor3A_370 = arith.xori %iota3A, %xor3A_369 : vector<16xi32>
      %lt3A_371 = arith.constant 0 : i32
      %lt3A_372 = vector.broadcast %lt3A_371 : i32 to vector<16xi32>
      %lt3A_373 = arith.cmpi slt, %xor3A_370, %lt3A_372 : vector<16xi32>
      %add3A_374 = arith.constant 16 : i32
      %add3A_375 = vector.broadcast %add3A_374 : i32 to vector<16xi32>
      %add3A_376 = arith.addi %xor3A_370, %add3A_375 : vector<16xi32>
      %select_n3A_377 = arith.select %lt3A_373, %add3A_376, %xor3A_370 : vector<16xi1>, vector<16xi32>
      %broadcast_in_dim3A_378 = vector.shape_cast %select_n3A_377 : vector<16xi32> to vector<16x1xi32>
      %gather3A_379 = vector.shape_cast %broadcast_in_dim3A_378 : vector<16x1xi32> to vector<16xi32>
      %gather3A_380 = tpu.dynamic_gather %add3A_197[%gather3A_379] in [0] : vector<16xf32>, vector<16xi32> -> vector<16xf32>
      %add3A_381 = arith.addf %add3A_197, %gather3A_380 : vector<16xf32>
      %xor3A_382 = arith.constant 4 : i32
      %xor3A_383 = vector.broadcast %xor3A_382 : i32 to vector<16xi32>
      %xor3A_384 = arith.xori %iota3A, %xor3A_383 : vector<16xi32>
      %lt3A_385 = arith.constant 0 : i32
      %lt3A_386 = vector.broadcast %lt3A_385 : i32 to vector<16xi32>
      %lt3A_387 = arith.cmpi slt, %xor3A_384, %lt3A_386 : vector<16xi32>
      %add3A_388 = arith.constant 16 : i32
      %add3A_389 = vector.broadcast %add3A_388 : i32 to vector<16xi32>
      %add3A_390 = arith.addi %xor3A_384, %add3A_389 : vector<16xi32>
      %select_n3A_391 = arith.select %lt3A_387, %add3A_390, %xor3A_384 : vector<16xi1>, vector<16xi32>
      %broadcast_in_dim3A_392 = vector.shape_cast %select_n3A_391 : vector<16xi32> to vector<16x1xi32>
      %gather3A_393 = vector.shape_cast %broadcast_in_dim3A_392 : vector<16x1xi32> to vector<16xi32>
      %gather3A_394 = tpu.dynamic_gather %add3A_381[%gather3A_393] in [0] : vector<16xf32>, vector<16xi32> -> vector<16xf32>
      %add3A_395 = arith.addf %add3A_381, %gather3A_394 : vector<16xf32>
      %xor3A_396 = arith.constant 2 : i32
      %xor3A_397 = vector.broadcast %xor3A_396 : i32 to vector<16xi32>
      %xor3A_398 = arith.xori %iota3A, %xor3A_397 : vector<16xi32>
      %lt3A_399 = arith.constant 0 : i32
      %lt3A_400 = vector.broadcast %lt3A_399 : i32 to vector<16xi32>
      %lt3A_401 = arith.cmpi slt, %xor3A_398, %lt3A_400 : vector<16xi32>
      %add3A_402 = arith.constant 16 : i32
      %add3A_403 = vector.broadcast %add3A_402 : i32 to vector<16xi32>
      %add3A_404 = arith.addi %xor3A_398, %add3A_403 : vector<16xi32>
      %select_n3A_405 = arith.select %lt3A_401, %add3A_404, %xor3A_398 : vector<16xi1>, vector<16xi32>
      %broadcast_in_dim3A_406 = vector.shape_cast %select_n3A_405 : vector<16xi32> to vector<16x1xi32>
      %gather3A_407 = vector.shape_cast %broadcast_in_dim3A_406 : vector<16x1xi32> to vector<16xi32>
      %gather3A_408 = tpu.dynamic_gather %add3A_395[%gather3A_407] in [0] : vector<16xf32>, vector<16xi32> -> vector<16xf32>
      %add3A_409 = arith.addf %add3A_395, %gather3A_408 : vector<16xf32>
      %xor3A_410 = arith.constant 1 : i32
      %xor3A_411 = vector.broadcast %xor3A_410 : i32 to vector<16xi32>
      %xor3A_412 = arith.xori %iota3A, %xor3A_411 : vector<16xi32>
      %lt3A_413 = arith.constant 0 : i32
      %lt3A_414 = vector.broadcast %lt3A_413 : i32 to vector<16xi32>
      %lt3A_415 = arith.cmpi slt, %xor3A_412, %lt3A_414 : vector<16xi32>
      %add3A_416 = arith.constant 16 : i32
      %add3A_417 = vector.broadcast %add3A_416 : i32 to vector<16xi32>
      %add3A_418 = arith.addi %xor3A_412, %add3A_417 : vector<16xi32>
      %select_n3A_419 = arith.select %lt3A_415, %add3A_418, %xor3A_412 : vector<16xi1>, vector<16xi32>
      %broadcast_in_dim3A_420 = vector.shape_cast %select_n3A_419 : vector<16xi32> to vector<16x1xi32>
      %gather3A_421 = vector.shape_cast %broadcast_in_dim3A_420 : vector<16x1xi32> to vector<16xi32>
      %gather3A_422 = tpu.dynamic_gather %add3A_409[%gather3A_421] in [0] : vector<16xf32>, vector<16xi32> -> vector<16xf32>
      %add3A_423 = arith.addf %add3A_409, %gather3A_422 : vector<16xf32>
      %xor3A_424 = arith.constant 8 : i32
      %xor3A_425 = vector.broadcast %xor3A_424 : i32 to vector<16xi32>
      %xor3A_426 = arith.xori %iota3A, %xor3A_425 : vector<16xi32>
      %lt3A_427 = arith.constant 0 : i32
      %lt3A_428 = vector.broadcast %lt3A_427 : i32 to vector<16xi32>
      %lt3A_429 = arith.cmpi slt, %xor3A_426, %lt3A_428 : vector<16xi32>
      %add3A_430 = arith.constant 16 : i32
      %add3A_431 = vector.broadcast %add3A_430 : i32 to vector<16xi32>
      %add3A_432 = arith.addi %xor3A_426, %add3A_431 : vector<16xi32>
      %select_n3A_433 = arith.select %lt3A_429, %add3A_432, %xor3A_426 : vector<16xi1>, vector<16xi32>
      %broadcast_in_dim3A_434 = vector.shape_cast %select_n3A_433 : vector<16xi32> to vector<16x1xi32>
      %gather3A_435 = vector.shape_cast %broadcast_in_dim3A_434 : vector<16x1xi32> to vector<16xi32>
      %gather3A_436 = tpu.dynamic_gather %add3A_199[%gather3A_435] in [0] : vector<16xf32>, vector<16xi32> -> vector<16xf32>
      %add3A_437 = arith.addf %add3A_199, %gather3A_436 : vector<16xf32>
      %xor3A_438 = arith.constant 4 : i32
      %xor3A_439 = vector.broadcast %xor3A_438 : i32 to vector<16xi32>
      %xor3A_440 = arith.xori %iota3A, %xor3A_439 : vector<16xi32>
      %lt3A_441 = arith.constant 0 : i32
      %lt3A_442 = vector.broadcast %lt3A_441 : i32 to vector<16xi32>
      %lt3A_443 = arith.cmpi slt, %xor3A_440, %lt3A_442 : vector<16xi32>
      %add3A_444 = arith.constant 16 : i32
      %add3A_445 = vector.broadcast %add3A_444 : i32 to vector<16xi32>
      %add3A_446 = arith.addi %xor3A_440, %add3A_445 : vector<16xi32>
      %select_n3A_447 = arith.select %lt3A_443, %add3A_446, %xor3A_440 : vector<16xi1>, vector<16xi32>
      %broadcast_in_dim3A_448 = vector.shape_cast %select_n3A_447 : vector<16xi32> to vector<16x1xi32>
      %gather3A_449 = vector.shape_cast %broadcast_in_dim3A_448 : vector<16x1xi32> to vector<16xi32>
      %gather3A_450 = tpu.dynamic_gather %add3A_437[%gather3A_449] in [0] : vector<16xf32>, vector<16xi32> -> vector<16xf32>
      %add3A_451 = arith.addf %add3A_437, %gather3A_450 : vector<16xf32>
      %xor3A_452 = arith.constant 2 : i32
      %xor3A_453 = vector.broadcast %xor3A_452 : i32 to vector<16xi32>
      %xor3A_454 = arith.xori %iota3A, %xor3A_453 : vector<16xi32>
      %lt3A_455 = arith.constant 0 : i32
      %lt3A_456 = vector.broadcast %lt3A_455 : i32 to vector<16xi32>
      %lt3A_457 = arith.cmpi slt, %xor3A_454, %lt3A_456 : vector<16xi32>
      %add3A_458 = arith.constant 16 : i32
      %add3A_459 = vector.broadcast %add3A_458 : i32 to vector<16xi32>
      %add3A_460 = arith.addi %xor3A_454, %add3A_459 : vector<16xi32>
      %select_n3A_461 = arith.select %lt3A_457, %add3A_460, %xor3A_454 : vector<16xi1>, vector<16xi32>
      %broadcast_in_dim3A_462 = vector.shape_cast %select_n3A_461 : vector<16xi32> to vector<16x1xi32>
      %gather3A_463 = vector.shape_cast %broadcast_in_dim3A_462 : vector<16x1xi32> to vector<16xi32>
      %gather3A_464 = tpu.dynamic_gather %add3A_451[%gather3A_463] in [0] : vector<16xf32>, vector<16xi32> -> vector<16xf32>
      %add3A_465 = arith.addf %add3A_451, %gather3A_464 : vector<16xf32>
      %xor3A_466 = arith.constant 1 : i32
      %xor3A_467 = vector.broadcast %xor3A_466 : i32 to vector<16xi32>
      %xor3A_468 = arith.xori %iota3A, %xor3A_467 : vector<16xi32>
      %lt3A_469 = arith.constant 0 : i32
      %lt3A_470 = vector.broadcast %lt3A_469 : i32 to vector<16xi32>
      %lt3A_471 = arith.cmpi slt, %xor3A_468, %lt3A_470 : vector<16xi32>
      %add3A_472 = arith.constant 16 : i32
      %add3A_473 = vector.broadcast %add3A_472 : i32 to vector<16xi32>
      %add3A_474 = arith.addi %xor3A_468, %add3A_473 : vector<16xi32>
      %select_n3A_475 = arith.select %lt3A_471, %add3A_474, %xor3A_468 : vector<16xi1>, vector<16xi32>
      %broadcast_in_dim3A_476 = vector.shape_cast %select_n3A_475 : vector<16xi32> to vector<16x1xi32>
      %gather3A_477 = vector.shape_cast %broadcast_in_dim3A_476 : vector<16x1xi32> to vector<16xi32>
      %gather3A_478 = tpu.dynamic_gather %add3A_465[%gather3A_477] in [0] : vector<16xf32>, vector<16xi32> -> vector<16xf32>
      %add3A_479 = arith.addf %add3A_465, %gather3A_478 : vector<16xf32>
      %neg3A = arith.constant 0.000000e+00 : f32
      %neg3A_480 = vector.broadcast %neg3A : f32 to vector<16xf32>
      %neg3A_481 = arith.subf %neg3A_480, %gather3A_72 : vector<16xf32>
      %mul3A_482 = arith.mulf %neg3A_481, %add3A_255 : vector<16xf32>
      %add3A_483 = arith.addf %add3A_311, %add3A_311 : vector<16xf32>
      %mul3A_484 = arith.mulf %gather3A_72, %add3A_483 : vector<16xf32>
      %neg3A_485 = arith.constant 0.000000e+00 : f32
      %neg3A_486 = vector.broadcast %neg3A_485 : f32 to vector<16xf32>
      %neg3A_487 = arith.subf %neg3A_486, %gather3A_72 : vector<16xf32>
      %mul3A_488 = arith.mulf %neg3A_487, %add3A_367 : vector<16xf32>
      %get3A_489 = arith.constant 0 : index
      %get3A_490 = tpu.vector_load %arg11[%get3A_489] {strides = array<i32>} : memref<2064xf32, #tpu.memory_space<vmem>>, vector<16xf32>,
      %get3A_491 = vector.shape_cast %get3A_490 : vector<16xf32> to vector<16xf32>
      %sub3A_492 = arith.subf %gather3A_98, %get3A_491 : vector<16xf32>
      %neg3A_493 = arith.constant 0.000000e+00 : f32
      %neg3A_494 = vector.broadcast %neg3A_493 : f32 to vector<16xf32>
      %neg3A_495 = arith.subf %neg3A_494, %gather3A_85 : vector<16xf32>
      %mul3A_496 = arith.mulf %neg3A_495, %sub3A_492 : vector<16xf32>
      %mul3A_497 = arith.mulf %mul3A_496, %sub3A_492 : vector<16xf32>
      %mul3A_498 = arith.mulf %gather3A_72, %add3A_423 : vector<16xf32>
      %sub3A_499 = arith.subf %mul3A_497, %mul3A_498 : vector<16xf32>
      %scan3A = arith.constant 0 : i32
      %scan3A_500 = arith.constant 89 : i32
      %scan3A_501 = arith.addi %scan3A, %scan3A_500 : i32
      %scan3A_502 = arith.constant 1 : i32
      %scan3A_503 = scf.for %scan3A_509 = %scan3A to %scan3A_501 step %scan3A_502 iter_args(%scan3A_510 = %sub3A_499) -> (vector<16xf32>)  : i32 {
        %mul3A_511 = arith.constant 23 : i32
        %mul3A_512 = arith.muli %scan3A_509, %mul3A_511 : i32
        %add3A_513 = arith.constant 1 : i32
        %add3A_514 = arith.addi %add3A_513, %mul3A_512 : i32
        %exp3A_515 = math.exp %scan3A_510 : vector<16xf32>
        %mul3A_516 = arith.mulf %exp3A_515, %exp3A_515 : vector<16xf32>
        %add3A_517 = arith.constant 0 : i32
        %add3A_518 = arith.addi %add3A_514, %add3A_517 : i32
        %get3A_519 = arith.index_cast %add3A_518 : i32 to index
        %get3A_520 = tpu.vector_load %arg11[%get3A_519] {strides = array<i32>} : memref<2064xf32, #tpu.memory_space<vmem>>, vector<16xf32>,
        %get3A_521 = vector.shape_cast %get3A_520 : vector<16xf32> to vector<16xf32>
        %sub3A_522 = arith.subf %gather3A_98, %get3A_521 : vector<16xf32>
        %mul3A_523 = arith.mulf %gather3A_85, %sub3A_522 : vector<16xf32>
        %mul3A_524 = arith.mulf %mul3A_523, %sub3A_522 : vector<16xf32>
        %sub3A_525 = arith.subf %mul3A_482, %mul3A_524 : vector<16xf32>
        %mul3A_526 = arith.mulf %mul3A_484, %exp3A_515 : vector<16xf32>
        %add3A_527 = arith.addf %sub3A_525, %mul3A_526 : vector<16xf32>
        %mul3A_528 = arith.mulf %mul3A_488, %mul3A_516 : vector<16xf32>
        %add3A_529 = arith.addf %add3A_527, %mul3A_528 : vector<16xf32>
        %exp3A_530 = math.exp %add3A_529 : vector<16xf32>
        %mul3A_531 = arith.mulf %exp3A_530, %exp3A_530 : vector<16xf32>
        %add3A_532 = arith.constant 1 : i32
        %add3A_533 = arith.addi %add3A_514, %add3A_532 : i32
        %get3A_534 = arith.index_cast %add3A_533 : i32 to index
        %get3A_535 = tpu.vector_load %arg11[%get3A_534] {strides = array<i32>} : memref<2064xf32, #tpu.memory_space<vmem>>, vector<16xf32>,
        %get3A_536 = vector.shape_cast %get3A_535 : vector<16xf32> to vector<16xf32>
        %sub3A_537 = arith.subf %gather3A_98, %get3A_536 : vector<16xf32>
        %mul3A_538 = arith.mulf %gather3A_85, %sub3A_537 : vector<16xf32>
        %mul3A_539 = arith.mulf %mul3A_538, %sub3A_537 : vector<16xf32>
        %sub3A_540 = arith.subf %mul3A_482, %mul3A_539 : vector<16xf32>
        %mul3A_541 = arith.mulf %mul3A_484, %exp3A_530 : vector<16xf32>
        %add3A_542 = arith.addf %sub3A_540, %mul3A_541 : vector<16xf32>
        %mul3A_543 = arith.mulf %mul3A_488, %mul3A_531 : vector<16xf32>
        %add3A_544 = arith.addf %add3A_542, %mul3A_543 : vector<16xf32>
        %exp3A_545 = math.exp %add3A_544 : vector<16xf32>
        %mul3A_546 = arith.mulf %exp3A_545, %exp3A_545 : vector<16xf32>
        %add3A_547 = arith.constant 2 : i32
        %add3A_548 = arith.addi %add3A_514, %add3A_547 : i32
        %get3A_549 = arith.index_cast %add3A_548 : i32 to index
        %get3A_550 = tpu.vector_load %arg11[%get3A_549] {strides = array<i32>} : memref<2064xf32, #tpu.memory_space<vmem>>, vector<16xf32>,
        %get3A_551 = vector.shape_cast %get3A_550 : vector<16xf32> to vector<16xf32>
        %sub3A_552 = arith.subf %gather3A_98, %get3A_551 : vector<16xf32>
        %mul3A_553 = arith.mulf %gather3A_85, %sub3A_552 : vector<16xf32>
        %mul3A_554 = arith.mulf %mul3A_553, %sub3A_552 : vector<16xf32>
        %sub3A_555 = arith.subf %mul3A_482, %mul3A_554 : vector<16xf32>
        %mul3A_556 = arith.mulf %mul3A_484, %exp3A_545 : vector<16xf32>
        %add3A_557 = arith.addf %sub3A_555, %mul3A_556 : vector<16xf32>
        %mul3A_558 = arith.mulf %mul3A_488, %mul3A_546 : vector<16xf32>
        %add3A_559 = arith.addf %add3A_557, %mul3A_558 : vector<16xf32>
        %exp3A_560 = math.exp %add3A_559 : vector<16xf32>
        %mul3A_561 = arith.mulf %exp3A_560, %exp3A_560 : vector<16xf32>
        %add3A_562 = arith.constant 3 : i32
        %add3A_563 = arith.addi %add3A_514, %add3A_562 : i32
        %get3A_564 = arith.index_cast %add3A_563 : i32 to index
        %get3A_565 = tpu.vector_load %arg11[%get3A_564] {strides = array<i32>} : memref<2064xf32, #tpu.memory_space<vmem>>, vector<16xf32>,
        %get3A_566 = vector.shape_cast %get3A_565 : vector<16xf32> to vector<16xf32>
        %sub3A_567 = arith.subf %gather3A_98, %get3A_566 : vector<16xf32>
        %mul3A_568 = arith.mulf %gather3A_85, %sub3A_567 : vector<16xf32>
        %mul3A_569 = arith.mulf %mul3A_568, %sub3A_567 : vector<16xf32>
        %sub3A_570 = arith.subf %mul3A_482, %mul3A_569 : vector<16xf32>
        %mul3A_571 = arith.mulf %mul3A_484, %exp3A_560 : vector<16xf32>
        %add3A_572 = arith.addf %sub3A_570, %mul3A_571 : vector<16xf32>
        %mul3A_573 = arith.mulf %mul3A_488, %mul3A_561 : vector<16xf32>
        %add3A_574 = arith.addf %add3A_572, %mul3A_573 : vector<16xf32>
        %exp3A_575 = math.exp %add3A_574 : vector<16xf32>
        %mul3A_576 = arith.mulf %exp3A_575, %exp3A_575 : vector<16xf32>
        %add3A_577 = arith.constant 4 : i32
        %add3A_578 = arith.addi %add3A_514, %add3A_577 : i32
        %get3A_579 = arith.index_cast %add3A_578 : i32 to index
        %get3A_580 = tpu.vector_load %arg11[%get3A_579] {strides = array<i32>} : memref<2064xf32, #tpu.memory_space<vmem>>, vector<16xf32>,
        %get3A_581 = vector.shape_cast %get3A_580 : vector<16xf32> to vector<16xf32>
        %sub3A_582 = arith.subf %gather3A_98, %get3A_581 : vector<16xf32>
        %mul3A_583 = arith.mulf %gather3A_85, %sub3A_582 : vector<16xf32>
        %mul3A_584 = arith.mulf %mul3A_583, %sub3A_582 : vector<16xf32>
        %sub3A_585 = arith.subf %mul3A_482, %mul3A_584 : vector<16xf32>
        %mul3A_586 = arith.mulf %mul3A_484, %exp3A_575 : vector<16xf32>
        %add3A_587 = arith.addf %sub3A_585, %mul3A_586 : vector<16xf32>
        %mul3A_588 = arith.mulf %mul3A_488, %mul3A_576 : vector<16xf32>
        %add3A_589 = arith.addf %add3A_587, %mul3A_588 : vector<16xf32>
        %exp3A_590 = math.exp %add3A_589 : vector<16xf32>
        %mul3A_591 = arith.mulf %exp3A_590, %exp3A_590 : vector<16xf32>
        %add3A_592 = arith.constant 5 : i32
        %add3A_593 = arith.addi %add3A_514, %add3A_592 : i32
        %get3A_594 = arith.index_cast %add3A_593 : i32 to index
        %get3A_595 = tpu.vector_load %arg11[%get3A_594] {strides = array<i32>} : memref<2064xf32, #tpu.memory_space<vmem>>, vector<16xf32>,
        %get3A_596 = vector.shape_cast %get3A_595 : vector<16xf32> to vector<16xf32>
        %sub3A_597 = arith.subf %gather3A_98, %get3A_596 : vector<16xf32>
        %mul3A_598 = arith.mulf %gather3A_85, %sub3A_597 : vector<16xf32>
        %mul3A_599 = arith.mulf %mul3A_598, %sub3A_597 : vector<16xf32>
        %sub3A_600 = arith.subf %mul3A_482, %mul3A_599 : vector<16xf32>
        %mul3A_601 = arith.mulf %mul3A_484, %exp3A_590 : vector<16xf32>
        %add3A_602 = arith.addf %sub3A_600, %mul3A_601 : vector<16xf32>
        %mul3A_603 = arith.mulf %mul3A_488, %mul3A_591 : vector<16xf32>
        %add3A_604 = arith.addf %add3A_602, %mul3A_603 : vector<16xf32>
        %exp3A_605 = math.exp %add3A_604 : vector<16xf32>
        %mul3A_606 = arith.mulf %exp3A_605, %exp3A_605 : vector<16xf32>
        %add3A_607 = arith.constant 6 : i32
        %add3A_608 = arith.addi %add3A_514, %add3A_607 : i32
        %get3A_609 = arith.index_cast %add3A_608 : i32 to index
        %get3A_610 = tpu.vector_load %arg11[%get3A_609] {strides = array<i32>} : memref<2064xf32, #tpu.memory_space<vmem>>, vector<16xf32>,
        %get3A_611 = vector.shape_cast %get3A_610 : vector<16xf32> to vector<16xf32>
        %sub3A_612 = arith.subf %gather3A_98, %get3A_611 : vector<16xf32>
        %mul3A_613 = arith.mulf %gather3A_85, %sub3A_612 : vector<16xf32>
        %mul3A_614 = arith.mulf %mul3A_613, %sub3A_612 : vector<16xf32>
        %sub3A_615 = arith.subf %mul3A_482, %mul3A_614 : vector<16xf32>
        %mul3A_616 = arith.mulf %mul3A_484, %exp3A_605 : vector<16xf32>
        %add3A_617 = arith.addf %sub3A_615, %mul3A_616 : vector<16xf32>
        %mul3A_618 = arith.mulf %mul3A_488, %mul3A_606 : vector<16xf32>
        %add3A_619 = arith.addf %add3A_617, %mul3A_618 : vector<16xf32>
        %exp3A_620 = math.exp %add3A_619 : vector<16xf32>
        %mul3A_621 = arith.mulf %exp3A_620, %exp3A_620 : vector<16xf32>
        %add3A_622 = arith.constant 7 : i32
        %add3A_623 = arith.addi %add3A_514, %add3A_622 : i32
        %get3A_624 = arith.index_cast %add3A_623 : i32 to index
        %get3A_625 = tpu.vector_load %arg11[%get3A_624] {strides = array<i32>} : memref<2064xf32, #tpu.memory_space<vmem>>, vector<16xf32>,
        %get3A_626 = vector.shape_cast %get3A_625 : vector<16xf32> to vector<16xf32>
        %sub3A_627 = arith.subf %gather3A_98, %get3A_626 : vector<16xf32>
        %mul3A_628 = arith.mulf %gather3A_85, %sub3A_627 : vector<16xf32>
        %mul3A_629 = arith.mulf %mul3A_628, %sub3A_627 : vector<16xf32>
        %sub3A_630 = arith.subf %mul3A_482, %mul3A_629 : vector<16xf32>
        %mul3A_631 = arith.mulf %mul3A_484, %exp3A_620 : vector<16xf32>
        %add3A_632 = arith.addf %sub3A_630, %mul3A_631 : vector<16xf32>
        %mul3A_633 = arith.mulf %mul3A_488, %mul3A_621 : vector<16xf32>
        %add3A_634 = arith.addf %add3A_632, %mul3A_633 : vector<16xf32>
        %exp3A_635 = math.exp %add3A_634 : vector<16xf32>
        %mul3A_636 = arith.mulf %exp3A_635, %exp3A_635 : vector<16xf32>
        %add3A_637 = arith.constant 8 : i32
        %add3A_638 = arith.addi %add3A_514, %add3A_637 : i32
        %get3A_639 = arith.index_cast %add3A_638 : i32 to index
        %get3A_640 = tpu.vector_load %arg11[%get3A_639] {strides = array<i32>} : memref<2064xf32, #tpu.memory_space<vmem>>, vector<16xf32>,
        %get3A_641 = vector.shape_cast %get3A_640 : vector<16xf32> to vector<16xf32>
        %sub3A_642 = arith.subf %gather3A_98, %get3A_641 : vector<16xf32>
        %mul3A_643 = arith.mulf %gather3A_85, %sub3A_642 : vector<16xf32>
        %mul3A_644 = arith.mulf %mul3A_643, %sub3A_642 : vector<16xf32>
        %sub3A_645 = arith.subf %mul3A_482, %mul3A_644 : vector<16xf32>
        %mul3A_646 = arith.mulf %mul3A_484, %exp3A_635 : vector<16xf32>
        %add3A_647 = arith.addf %sub3A_645, %mul3A_646 : vector<16xf32>
        %mul3A_648 = arith.mulf %mul3A_488, %mul3A_636 : vector<16xf32>
        %add3A_649 = arith.addf %add3A_647, %mul3A_648 : vector<16xf32>
        %exp3A_650 = math.exp %add3A_649 : vector<16xf32>
        %mul3A_651 = arith.mulf %exp3A_650, %exp3A_650 : vector<16xf32>
        %add3A_652 = arith.constant 9 : i32
        %add3A_653 = arith.addi %add3A_514, %add3A_652 : i32
        %get3A_654 = arith.index_cast %add3A_653 : i32 to index
        %get3A_655 = tpu.vector_load %arg11[%get3A_654] {strides = array<i32>} : memref<2064xf32, #tpu.memory_space<vmem>>, vector<16xf32>,
        %get3A_656 = vector.shape_cast %get3A_655 : vector<16xf32> to vector<16xf32>
        %sub3A_657 = arith.subf %gather3A_98, %get3A_656 : vector<16xf32>
        %mul3A_658 = arith.mulf %gather3A_85, %sub3A_657 : vector<16xf32>
        %mul3A_659 = arith.mulf %mul3A_658, %sub3A_657 : vector<16xf32>
        %sub3A_660 = arith.subf %mul3A_482, %mul3A_659 : vector<16xf32>
        %mul3A_661 = arith.mulf %mul3A_484, %exp3A_650 : vector<16xf32>
        %add3A_662 = arith.addf %sub3A_660, %mul3A_661 : vector<16xf32>
        %mul3A_663 = arith.mulf %mul3A_488, %mul3A_651 : vector<16xf32>
        %add3A_664 = arith.addf %add3A_662, %mul3A_663 : vector<16xf32>
        %exp3A_665 = math.exp %add3A_664 : vector<16xf32>
        %mul3A_666 = arith.mulf %exp3A_665, %exp3A_665 : vector<16xf32>
        %add3A_667 = arith.constant 10 : i32
        %add3A_668 = arith.addi %add3A_514, %add3A_667 : i32
        %get3A_669 = arith.index_cast %add3A_668 : i32 to index
        %get3A_670 = tpu.vector_load %arg11[%get3A_669] {strides = array<i32>} : memref<2064xf32, #tpu.memory_space<vmem>>, vector<16xf32>,
        %get3A_671 = vector.shape_cast %get3A_670 : vector<16xf32> to vector<16xf32>
        %sub3A_672 = arith.subf %gather3A_98, %get3A_671 : vector<16xf32>
        %mul3A_673 = arith.mulf %gather3A_85, %sub3A_672 : vector<16xf32>
        %mul3A_674 = arith.mulf %mul3A_673, %sub3A_672 : vector<16xf32>
        %sub3A_675 = arith.subf %mul3A_482, %mul3A_674 : vector<16xf32>
        %mul3A_676 = arith.mulf %mul3A_484, %exp3A_665 : vector<16xf32>
        %add3A_677 = arith.addf %sub3A_675, %mul3A_676 : vector<16xf32>
        %mul3A_678 = arith.mulf %mul3A_488, %mul3A_666 : vector<16xf32>
        %add3A_679 = arith.addf %add3A_677, %mul3A_678 : vector<16xf32>
        %exp3A_680 = math.exp %add3A_679 : vector<16xf32>
        %mul3A_681 = arith.mulf %exp3A_680, %exp3A_680 : vector<16xf32>
        %add3A_682 = arith.constant 11 : i32
        %add3A_683 = arith.addi %add3A_514, %add3A_682 : i32
        %get3A_684 = arith.index_cast %add3A_683 : i32 to index
        %get3A_685 = tpu.vector_load %arg11[%get3A_684] {strides = array<i32>} : memref<2064xf32, #tpu.memory_space<vmem>>, vector<16xf32>,
        %get3A_686 = vector.shape_cast %get3A_685 : vector<16xf32> to vector<16xf32>
        %sub3A_687 = arith.subf %gather3A_98, %get3A_686 : vector<16xf32>
        %mul3A_688 = arith.mulf %gather3A_85, %sub3A_687 : vector<16xf32>
        %mul3A_689 = arith.mulf %mul3A_688, %sub3A_687 : vector<16xf32>
        %sub3A_690 = arith.subf %mul3A_482, %mul3A_689 : vector<16xf32>
        %mul3A_691 = arith.mulf %mul3A_484, %exp3A_680 : vector<16xf32>
        %add3A_692 = arith.addf %sub3A_690, %mul3A_691 : vector<16xf32>
        %mul3A_693 = arith.mulf %mul3A_488, %mul3A_681 : vector<16xf32>
        %add3A_694 = arith.addf %add3A_692, %mul3A_693 : vector<16xf32>
        %exp3A_695 = math.exp %add3A_694 : vector<16xf32>
        %mul3A_696 = arith.mulf %exp3A_695, %exp3A_695 : vector<16xf32>
        %add3A_697 = arith.constant 12 : i32
        %add3A_698 = arith.addi %add3A_514, %add3A_697 : i32
        %get3A_699 = arith.index_cast %add3A_698 : i32 to index
        %get3A_700 = tpu.vector_load %arg11[%get3A_699] {strides = array<i32>} : memref<2064xf32, #tpu.memory_space<vmem>>, vector<16xf32>,
        %get3A_701 = vector.shape_cast %get3A_700 : vector<16xf32> to vector<16xf32>
        %sub3A_702 = arith.subf %gather3A_98, %get3A_701 : vector<16xf32>
        %mul3A_703 = arith.mulf %gather3A_85, %sub3A_702 : vector<16xf32>
        %mul3A_704 = arith.mulf %mul3A_703, %sub3A_702 : vector<16xf32>
        %sub3A_705 = arith.subf %mul3A_482, %mul3A_704 : vector<16xf32>
        %mul3A_706 = arith.mulf %mul3A_484, %exp3A_695 : vector<16xf32>
        %add3A_707 = arith.addf %sub3A_705, %mul3A_706 : vector<16xf32>
        %mul3A_708 = arith.mulf %mul3A_488, %mul3A_696 : vector<16xf32>
        %add3A_709 = arith.addf %add3A_707, %mul3A_708 : vector<16xf32>
        %exp3A_710 = math.exp %add3A_709 : vector<16xf32>
        %mul3A_711 = arith.mulf %exp3A_710, %exp3A_710 : vector<16xf32>
        %add3A_712 = arith.constant 13 : i32
        %add3A_713 = arith.addi %add3A_514, %add3A_712 : i32
        %get3A_714 = arith.index_cast %add3A_713 : i32 to index
        %get3A_715 = tpu.vector_load %arg11[%get3A_714] {strides = array<i32>} : memref<2064xf32, #tpu.memory_space<vmem>>, vector<16xf32>,
        %get3A_716 = vector.shape_cast %get3A_715 : vector<16xf32> to vector<16xf32>
        %sub3A_717 = arith.subf %gather3A_98, %get3A_716 : vector<16xf32>
        %mul3A_718 = arith.mulf %gather3A_85, %sub3A_717 : vector<16xf32>
        %mul3A_719 = arith.mulf %mul3A_718, %sub3A_717 : vector<16xf32>
        %sub3A_720 = arith.subf %mul3A_482, %mul3A_719 : vector<16xf32>
        %mul3A_721 = arith.mulf %mul3A_484, %exp3A_710 : vector<16xf32>
        %add3A_722 = arith.addf %sub3A_720, %mul3A_721 : vector<16xf32>
        %mul3A_723 = arith.mulf %mul3A_488, %mul3A_711 : vector<16xf32>
        %add3A_724 = arith.addf %add3A_722, %mul3A_723 : vector<16xf32>
        %exp3A_725 = math.exp %add3A_724 : vector<16xf32>
        %mul3A_726 = arith.mulf %exp3A_725, %exp3A_725 : vector<16xf32>
        %add3A_727 = arith.constant 14 : i32
        %add3A_728 = arith.addi %add3A_514, %add3A_727 : i32
        %get3A_729 = arith.index_cast %add3A_728 : i32 to index
        %get3A_730 = tpu.vector_load %arg11[%get3A_729] {strides = array<i32>} : memref<2064xf32, #tpu.memory_space<vmem>>, vector<16xf32>,
        %get3A_731 = vector.shape_cast %get3A_730 : vector<16xf32> to vector<16xf32>
        %sub3A_732 = arith.subf %gather3A_98, %get3A_731 : vector<16xf32>
        %mul3A_733 = arith.mulf %gather3A_85, %sub3A_732 : vector<16xf32>
        %mul3A_734 = arith.mulf %mul3A_733, %sub3A_732 : vector<16xf32>
        %sub3A_735 = arith.subf %mul3A_482, %mul3A_734 : vector<16xf32>
        %mul3A_736 = arith.mulf %mul3A_484, %exp3A_725 : vector<16xf32>
        %add3A_737 = arith.addf %sub3A_735, %mul3A_736 : vector<16xf32>
        %mul3A_738 = arith.mulf %mul3A_488, %mul3A_726 : vector<16xf32>
        %add3A_739 = arith.addf %add3A_737, %mul3A_738 : vector<16xf32>
        %exp3A_740 = math.exp %add3A_739 : vector<16xf32>
        %mul3A_741 = arith.mulf %exp3A_740, %exp3A_740 : vector<16xf32>
        %add3A_742 = arith.constant 15 : i32
        %add3A_743 = arith.addi %add3A_514, %add3A_742 : i32
        %get3A_744 = arith.index_cast %add3A_743 : i32 to index
        %get3A_745 = tpu.vector_load %arg11[%get3A_744] {strides = array<i32>} : memref<2064xf32, #tpu.memory_space<vmem>>, vector<16xf32>,
        %get3A_746 = vector.shape_cast %get3A_745 : vector<16xf32> to vector<16xf32>
        %sub3A_747 = arith.subf %gather3A_98, %get3A_746 : vector<16xf32>
        %mul3A_748 = arith.mulf %gather3A_85, %sub3A_747 : vector<16xf32>
        %mul3A_749 = arith.mulf %mul3A_748, %sub3A_747 : vector<16xf32>
        %sub3A_750 = arith.subf %mul3A_482, %mul3A_749 : vector<16xf32>
        %mul3A_751 = arith.mulf %mul3A_484, %exp3A_740 : vector<16xf32>
        %add3A_752 = arith.addf %sub3A_750, %mul3A_751 : vector<16xf32>
        %mul3A_753 = arith.mulf %mul3A_488, %mul3A_741 : vector<16xf32>
        %add3A_754 = arith.addf %add3A_752, %mul3A_753 : vector<16xf32>
        %exp3A_755 = math.exp %add3A_754 : vector<16xf32>
        %mul3A_756 = arith.mulf %exp3A_755, %exp3A_755 : vector<16xf32>
        %add3A_757 = arith.constant 16 : i32
        %add3A_758 = arith.addi %add3A_514, %add3A_757 : i32
        %get3A_759 = arith.index_cast %add3A_758 : i32 to index
        %get3A_760 = tpu.vector_load %arg11[%get3A_759] {strides = array<i32>} : memref<2064xf32, #tpu.memory_space<vmem>>, vector<16xf32>,
        %get3A_761 = vector.shape_cast %get3A_760 : vector<16xf32> to vector<16xf32>
        %sub3A_762 = arith.subf %gather3A_98, %get3A_761 : vector<16xf32>
        %mul3A_763 = arith.mulf %gather3A_85, %sub3A_762 : vector<16xf32>
        %mul3A_764 = arith.mulf %mul3A_763, %sub3A_762 : vector<16xf32>
        %sub3A_765 = arith.subf %mul3A_482, %mul3A_764 : vector<16xf32>
        %mul3A_766 = arith.mulf %mul3A_484, %exp3A_755 : vector<16xf32>
        %add3A_767 = arith.addf %sub3A_765, %mul3A_766 : vector<16xf32>
        %mul3A_768 = arith.mulf %mul3A_488, %mul3A_756 : vector<16xf32>
        %add3A_769 = arith.addf %add3A_767, %mul3A_768 : vector<16xf32>
        %exp3A_770 = math.exp %add3A_769 : vector<16xf32>
        %mul3A_771 = arith.mulf %exp3A_770, %exp3A_770 : vector<16xf32>
        %add3A_772 = arith.constant 17 : i32
        %add3A_773 = arith.addi %add3A_514, %add3A_772 : i32
        %get3A_774 = arith.index_cast %add3A_773 : i32 to index
        %get3A_775 = tpu.vector_load %arg11[%get3A_774] {strides = array<i32>} : memref<2064xf32, #tpu.memory_space<vmem>>, vector<16xf32>,
        %get3A_776 = vector.shape_cast %get3A_775 : vector<16xf32> to vector<16xf32>
        %sub3A_777 = arith.subf %gather3A_98, %get3A_776 : vector<16xf32>
        %mul3A_778 = arith.mulf %gather3A_85, %sub3A_777 : vector<16xf32>
        %mul3A_779 = arith.mulf %mul3A_778, %sub3A_777 : vector<16xf32>
        %sub3A_780 = arith.subf %mul3A_482, %mul3A_779 : vector<16xf32>
        %mul3A_781 = arith.mulf %mul3A_484, %exp3A_770 : vector<16xf32>
        %add3A_782 = arith.addf %sub3A_780, %mul3A_781 : vector<16xf32>
        %mul3A_783 = arith.mulf %mul3A_488, %mul3A_771 : vector<16xf32>
        %add3A_784 = arith.addf %add3A_782, %mul3A_783 : vector<16xf32>
        %exp3A_785 = math.exp %add3A_784 : vector<16xf32>
        %mul3A_786 = arith.mulf %exp3A_785, %exp3A_785 : vector<16xf32>
        %add3A_787 = arith.constant 18 : i32
        %add3A_788 = arith.addi %add3A_514, %add3A_787 : i32
        %get3A_789 = arith.index_cast %add3A_788 : i32 to index
        %get3A_790 = tpu.vector_load %arg11[%get3A_789] {strides = array<i32>} : memref<2064xf32, #tpu.memory_space<vmem>>, vector<16xf32>,
        %get3A_791 = vector.shape_cast %get3A_790 : vector<16xf32> to vector<16xf32>
        %sub3A_792 = arith.subf %gather3A_98, %get3A_791 : vector<16xf32>
        %mul3A_793 = arith.mulf %gather3A_85, %sub3A_792 : vector<16xf32>
        %mul3A_794 = arith.mulf %mul3A_793, %sub3A_792 : vector<16xf32>
        %sub3A_795 = arith.subf %mul3A_482, %mul3A_794 : vector<16xf32>
        %mul3A_796 = arith.mulf %mul3A_484, %exp3A_785 : vector<16xf32>
        %add3A_797 = arith.addf %sub3A_795, %mul3A_796 : vector<16xf32>
        %mul3A_798 = arith.mulf %mul3A_488, %mul3A_786 : vector<16xf32>
        %add3A_799 = arith.addf %add3A_797, %mul3A_798 : vector<16xf32>
        %exp3A_800 = math.exp %add3A_799 : vector<16xf32>
        %mul3A_801 = arith.mulf %exp3A_800, %exp3A_800 : vector<16xf32>
        %add3A_802 = arith.constant 19 : i32
        %add3A_803 = arith.addi %add3A_514, %add3A_802 : i32
        %get3A_804 = arith.index_cast %add3A_803 : i32 to index
        %get3A_805 = tpu.vector_load %arg11[%get3A_804] {strides = array<i32>} : memref<2064xf32, #tpu.memory_space<vmem>>, vector<16xf32>,
        %get3A_806 = vector.shape_cast %get3A_805 : vector<16xf32> to vector<16xf32>
        %sub3A_807 = arith.subf %gather3A_98, %get3A_806 : vector<16xf32>
        %mul3A_808 = arith.mulf %gather3A_85, %sub3A_807 : vector<16xf32>
        %mul3A_809 = arith.mulf %mul3A_808, %sub3A_807 : vector<16xf32>
        %sub3A_810 = arith.subf %mul3A_482, %mul3A_809 : vector<16xf32>
        %mul3A_811 = arith.mulf %mul3A_484, %exp3A_800 : vector<16xf32>
        %add3A_812 = arith.addf %sub3A_810, %mul3A_811 : vector<16xf32>
        %mul3A_813 = arith.mulf %mul3A_488, %mul3A_801 : vector<16xf32>
        %add3A_814 = arith.addf %add3A_812, %mul3A_813 : vector<16xf32>
        %exp3A_815 = math.exp %add3A_814 : vector<16xf32>
        %mul3A_816 = arith.mulf %exp3A_815, %exp3A_815 : vector<16xf32>
        %add3A_817 = arith.constant 20 : i32
        %add3A_818 = arith.addi %add3A_514, %add3A_817 : i32
        %get3A_819 = arith.index_cast %add3A_818 : i32 to index
        %get3A_820 = tpu.vector_load %arg11[%get3A_819] {strides = array<i32>} : memref<2064xf32, #tpu.memory_space<vmem>>, vector<16xf32>,
        %get3A_821 = vector.shape_cast %get3A_820 : vector<16xf32> to vector<16xf32>
        %sub3A_822 = arith.subf %gather3A_98, %get3A_821 : vector<16xf32>
        %mul3A_823 = arith.mulf %gather3A_85, %sub3A_822 : vector<16xf32>
        %mul3A_824 = arith.mulf %mul3A_823, %sub3A_822 : vector<16xf32>
        %sub3A_825 = arith.subf %mul3A_482, %mul3A_824 : vector<16xf32>
        %mul3A_826 = arith.mulf %mul3A_484, %exp3A_815 : vector<16xf32>
        %add3A_827 = arith.addf %sub3A_825, %mul3A_826 : vector<16xf32>
        %mul3A_828 = arith.mulf %mul3A_488, %mul3A_816 : vector<16xf32>
        %add3A_829 = arith.addf %add3A_827, %mul3A_828 : vector<16xf32>
        %exp3A_830 = math.exp %add3A_829 : vector<16xf32>
        %mul3A_831 = arith.mulf %exp3A_830, %exp3A_830 : vector<16xf32>
        %add3A_832 = arith.constant 21 : i32
        %add3A_833 = arith.addi %add3A_514, %add3A_832 : i32
        %get3A_834 = arith.index_cast %add3A_833 : i32 to index
        %get3A_835 = tpu.vector_load %arg11[%get3A_834] {strides = array<i32>} : memref<2064xf32, #tpu.memory_space<vmem>>, vector<16xf32>,
        %get3A_836 = vector.shape_cast %get3A_835 : vector<16xf32> to vector<16xf32>
        %sub3A_837 = arith.subf %gather3A_98, %get3A_836 : vector<16xf32>
        %mul3A_838 = arith.mulf %gather3A_85, %sub3A_837 : vector<16xf32>
        %mul3A_839 = arith.mulf %mul3A_838, %sub3A_837 : vector<16xf32>
        %sub3A_840 = arith.subf %mul3A_482, %mul3A_839 : vector<16xf32>
        %mul3A_841 = arith.mulf %mul3A_484, %exp3A_830 : vector<16xf32>
        %add3A_842 = arith.addf %sub3A_840, %mul3A_841 : vector<16xf32>
        %mul3A_843 = arith.mulf %mul3A_488, %mul3A_831 : vector<16xf32>
        %add3A_844 = arith.addf %add3A_842, %mul3A_843 : vector<16xf32>
        %exp3A_845 = math.exp %add3A_844 : vector<16xf32>
        %mul3A_846 = arith.mulf %exp3A_845, %exp3A_845 : vector<16xf32>
        %add3A_847 = arith.constant 22 : i32
        %add3A_848 = arith.addi %add3A_514, %add3A_847 : i32
        %get3A_849 = arith.index_cast %add3A_848 : i32 to index
        %get3A_850 = tpu.vector_load %arg11[%get3A_849] {strides = array<i32>} : memref<2064xf32, #tpu.memory_space<vmem>>, vector<16xf32>,
        %get3A_851 = vector.shape_cast %get3A_850 : vector<16xf32> to vector<16xf32>
        %sub3A_852 = arith.subf %gather3A_98, %get3A_851 : vector<16xf32>
        %mul3A_853 = arith.mulf %gather3A_85, %sub3A_852 : vector<16xf32>
        %mul3A_854 = arith.mulf %mul3A_853, %sub3A_852 : vector<16xf32>
        %sub3A_855 = arith.subf %mul3A_482, %mul3A_854 : vector<16xf32>
        %mul3A_856 = arith.mulf %mul3A_484, %exp3A_845 : vector<16xf32>
        %add3A_857 = arith.addf %sub3A_855, %mul3A_856 : vector<16xf32>
        %mul3A_858 = arith.mulf %mul3A_488, %mul3A_846 : vector<16xf32>
        %add3A_859 = arith.addf %add3A_857, %mul3A_858 : vector<16xf32>
        scf.yield %add3A_859 : vector<16xf32>
      }
      %scan3A_504 = arith.constant 89 : i32
      %exp3A = math.exp %scan3A_503 : vector<16xf32>
      %mul3A_505 = arith.mulf %exp3A, %add3A_479 : vector<16xf32>
      %swap3A = arith.constant 0 : index
      %swap3A_506 = tpu.vector_load %arg14[%swap3A] {strides = array<i32>} : memref<16xf32, #tpu.memory_space<vmem>>, vector<16xf32>,
      %swap3A_507 = vector.shape_cast %swap3A_506 : vector<16xf32> to vector<16xf32>
      %swap3A_508 = vector.shape_cast %mul3A_505 : vector<16xf32> to vector<16xf32>
      tpu.vector_store %arg14[%swap3A], %swap3A_508 {strides = array<i32>} : memref<16xf32, #tpu.memory_space<vmem>>, vector<16xf32>,
      "tpu.region"() ({
        %run_scoped3A = tpu.sem_alloc : memref<!tpu.dma_semaphore, #tpu.memory_space<semaphore_mem>>
        %dma_start3A_509 = arith.constant 0 : i32
        %dma_start3A_510 = tpu.memref_slice %arg14[%dma_start3A_509] : memref<16xf32, #tpu.memory_space<vmem>> -> memref<1xf32, #tpu.memory_space<vmem>>
        %dma_start3A_511 = arith.constant 0 : i32
        %dma_start3A_512 = tpu.memref_slice %arg14[%dma_start3A_511] : memref<16xf32, #tpu.memory_space<vmem>> -> memref<1xf32, #tpu.memory_space<vmem>>
        tpu.enqueue_dma source(%dma_start3A_512 : memref<1xf32, #tpu.memory_space<vmem>>) target(%arg10 : memref<1xf32, #tpu.memory_space<hbm>>) target_semaphore(%run_scoped3A : memref<!tpu.dma_semaphore, #tpu.memory_space<semaphore_mem>>)
        %dma_wait3A_513 = arith.constant 0 : i32
        %dma_wait3A_514 = tpu.memref_slice %arg14[%dma_wait3A_513] : memref<16xf32, #tpu.memory_space<vmem>> -> memref<1xf32, #tpu.memory_space<vmem>>
        %dma_wait3A_515 = arith.constant 0 : i32
        %dma_wait3A_516 = tpu.memref_slice %arg14[%dma_wait3A_515] : memref<16xf32, #tpu.memory_space<vmem>> -> memref<1xf32, #tpu.memory_space<vmem>>
        tpu.wait_dma2 semaphore(%run_scoped3A : memref<!tpu.dma_semaphore, #tpu.memory_space<semaphore_mem>>) src(%dma_wait3A_516 : memref<1xf32, #tpu.memory_space<vmem>>) dst(%arg10 : memref<1xf32, #tpu.memory_space<hbm>>)
        tpu.yield
      }) : () -> ()
    } else {
    }
    return
  }
}

</mosaic_0001>

<sc_bundles>
// kernel: _run.3.cloned.1.call-start
scs
__scs_entry_jumppad:
0x0: {  	(pc) =	sbr.rel $0x88, $3  }
0x1: {  	(tag) =	ssettag $0x0;
	lr =	simm.s32 $0x1  }
0x2: {  	[smem:$0x3F99] =	sst lr;
	_ =	strace $0xD0000000  }
0x3: {  	_ = 	snop  }
0x4: {  	_ = 	snop  }
0x5: {  	_ = 	snop  }
0x6: {  	_ = 	snop  }
0x7: {  	_ = 	snop  }
__scs_overlays_trampoline_lowered:
0x8: {  	[smem:$0x3FA8] =	sst s0  }
0x9: {  	[smem:$0x3FA9] =	sst s1  }
0xa: {  	[smem:$0x3FAA] =	sst s2  }
0xb: {  	[smem:$0x3FAB] =	sst s3  }
0xc: {  	[smem:$0x3FAC] =	sst s4  }
0xd: {  	[smem:$0x3FAD] =	sst s5  }
0xe: {  	[smem:$0x3FAE] =	sst s6  }
0xf: {  	[smem:$0x3FAF] =	sst s7  }
0x10: {  	[smem:$0x3FB0] =	sst s8  }
0x11: {  	[smem:$0x3FB1] =	sst s9;
	s0 =	simm.s32 @!p0 $0x0  }
0x12: {  	s1 =	sld [smem:$0x3F97];
	s0 =	simm.s32 @p0 $0x1  }
0x13: {  	[smem:$0x3FB2] =	sst s0;
	s0 =	simm.s32 @!p1 $0x0  }
0x14: {  	s2 =	sld [smem:$0x3F96];
	s0 =	simm.s32 @p1 $0x1  }
0x15: {  	[smem:$0x3FB3] =	sst s0;
	s0 =	simm.s32 @!p2 $0x0  }
0x16: {  	s3 =	sld [smem:$0x3FDB];
	s0 =	simm.s32 @p2 $0x1  }
0x17: {  	s4 =	simm.s32 $0x1BF5;
	[smem:$0x3FB5] =	sst s0  }
0x18: {  	s0 =	sld [smem:$0x3F98];
	_ =	swait.ge [sflag:s4], $0x0  }
0x19: {  	s7 =	sld [smem:$0x3F99]  }
0x1a: {  	s8 =	sadd.s32 $0xFFFFE003, lr  }
0x1b: {  	s9 =	sadd.s32 $0xFFFFFEF7, lr;
	s5 =	simm.s32 $0xFFFFFFFF;
	p2 =	slt.u32 s8, $0xFFFFF086  }
0x1c: {  	p1 =	slt.u32 s9, $0xF7A;
	s5 =	simm.s32 @!p2 $0x0  }
0x1d: {  	s5 =	simm.s32 @p1 $0x1;
	p0 =	seq.s32 s7, s2  }
0x1e: {  	s7 =	smul.u32 @!p0 $0xF7A, s2;
	p2 =	seq.s32 @!p0 s5, $0x0  }
0x1f: {  	s9 =	smul.u32 $0xF7A, s1;
	s8 =	simm.s32 @!p0 $0x1BF5;
	p2 =	por !p2, p0  }
0x20: {  	[sflag:s8] =	ssyncset.s32 @!p0 $0xFFFFF086;
	s6 =	sadd.s32 @!p0 s3, s7;
	s7 =	simm.s32 @!p0 $0x108  }
0x21: {  	s3 =	sadd.s32 s3, s9;
	s6 =	sadd.s32 @!p0 $0x88, s6;
	s7 =	simm.s32 @p2 $0x1082  }
0x22: {  	[simem:s7], [sflag:s8] =	dma.local @!p0 [hbm:s6], $0xF7A  }
0x23: {  	s9 =	sor.u32 $0xD0000000, s2;
	s6 =	simm.s32 $0x108;
	_ =	swait.ge @!p0 [sflag:s8], $0x0  }
0x24: {  	s3 =	sadd.s32 $0x88, s3;
	s6 =	simm.s32 @!p1 $0x1082;
	[sflag:s4] =	ssyncset.s32 $0xFFFFF086  }
0x25: {  	[simem:s6], [sflag:s4] =	dma.local [hbm:s3], $0xF7A  }
0x26: {  	[smem:$0x3F99] =	sst s1;
	(tag) =	ssettag s2;
	_ =	strace s9  }
0x27: {  	s1 =	sld [smem:$0x3FA9]  }
0x28: {  	s2 =	sld [smem:$0x3FAA]  }
0x29: {  	s4 =	sld [smem:$0x3FAC]  }
0x2a: {  	p0 =	seq.s32 s5, $0x0;
	s5 =	sld [smem:$0x3FAD]  }
0x2b: {  	s6 =	sld [smem:$0x3FAE]  }
0x2c: {  	s7 =	sld [smem:$0x3FAF]  }
0x2d: {  	s3 =	simm.s32 $0x108;
	s8 =	sld [smem:$0x3FB0]  }
0x2e: {  	s3 =	simm.s32 @!p0 $0x1082;
	s9 =	sld [smem:$0x3FB1]  }
0x2f: {  	lr =	sadd.s32 s0, s3;
	s0 =	sld [smem:$0x3FA8]  }
0x30: {  	s3 =	sld [smem:$0x3FAB]  }
0x31: {  	[smem:$0x3FB4] =	sst s10  }
0x32: {  	s10 =	sld [smem:$0x3FB2];
	_ =	sdelay $0x3  }
0x33: {  	p0 =	seq.s32 s10, $0x1;
	s10 =	sld [smem:$0x3FB4];
	_ =	sdelay $0x3  }
0x34: {  	[smem:$0x3FB4] =	sst s10  }
0x35: {  	s10 =	sld [smem:$0x3FB3];
	_ =	sdelay $0x3  }
0x36: {  	p1 =	seq.s32 s10, $0x1;
	s10 =	sld [smem:$0x3FB4];
	_ =	sdelay $0x3  }
0x37: {  	[smem:$0x3FB4] =	sst s10  }
0x38: {  	s10 =	sld [smem:$0x3FB5]  }
0x39: {  	_ = 	snop;
	(pc) =	sbr.ind lr, $3  }
0x3a: {  	_ = 	snop  }
0x3b: {  	_ = 	snop  }
0x3c: {  	p2 =	seq.s32 s10, $0x1;
	s10 =	sld [smem:$0x3FB4]  }
0x3d: {  	_ =	shalt  }
0x3e: {  	_ =	shalt  }
0x3f: {  	_ =	shalt  }
0x40: {  	_ =	shalt  }
0x41: {  	_ =	shalt  }
0x42: {  	_ =	shalt  }
0x43: {  	_ =	shalt  }
0x44: {  	_ =	shalt  }
0x45: {  	_ =	shalt  }
0x46: {  	_ =	shalt  }
0x47: {  	_ =	shalt  }
0x48: {  	_ =	shalt  }
0x49: {  	_ =	shalt  }
0x4a: {  	_ =	shalt  }
0x4b: {  	_ =	shalt  }
0x4c: {  	_ =	shalt  }
0x4d: {  	_ =	shalt  }
0x4e: {  	_ =	shalt  }
0x4f: {  	_ =	shalt  }
0x50: {  	_ =	shalt  }
0x51: {  	_ =	shalt  }
0x52: {  	_ =	shalt  }
0x53: {  	_ =	shalt  }
0x54: {  	_ =	shalt  }
0x55: {  	_ =	shalt  }
0x56: {  	_ =	shalt  }
0x57: {  	_ =	shalt  }
0x58: {  	_ =	shalt  }
0x59: {  	_ =	shalt  }
0x5a: {  	_ =	shalt  }
0x5b: {  	_ =	shalt  }
0x5c: {  	_ =	shalt  }
0x5d: {  	_ =	shalt  }
0x5e: {  	_ =	shalt  }
0x5f: {  	_ =	shalt  }
0x60: {  	_ =	shalt  }
0x61: {  	_ =	shalt  }
0x62: {  	_ =	shalt  }
0x63: {  	_ =	shalt  }
0x64: {  	_ =	shalt  }
0x65: {  	_ =	shalt  }
0x66: {  	_ =	shalt  }
0x67: {  	_ =	shalt  }
0x68: {  	_ =	shalt  }
0x69: {  	_ =	shalt  }
0x6a: {  	_ =	shalt  }
0x6b: {  	_ =	shalt  }
0x6c: {  	_ =	shalt  }
0x6d: {  	_ =	shalt  }
0x6e: {  	_ =	shalt  }
0x6f: {  	_ =	shalt  }
0x70: {  	_ =	shalt  }
0x71: {  	_ =	shalt  }
0x72: {  	_ =	shalt  }
0x73: {  	_ =	shalt  }
0x74: {  	_ =	shalt  }
0x75: {  	_ =	shalt  }
0x76: {  	_ =	shalt  }
0x77: {  	_ =	shalt  }
0x78: {  	_ =	shalt  }
0x79: {  	_ =	shalt  }
0x7a: {  	_ =	shalt  }
0x7b: {  	_ =	shalt  }
0x7c: {  	_ =	shalt  }
0x7d: {  	_ =	shalt  }
0x7e: {  	_ =	shalt  }
0x7f: {  	_ =	shalt  }
0x80: {  	_ =	shalt  }
0x81: {  	_ =	shalt  }
0x82: {  	_ =	shalt  }
0x83: {  	_ =	shalt  }
0x84: {  	_ =	shalt  }
0x85: {  	_ =	shalt  }
0x86: {  	_ =	shalt  }
0x87: {  	_ =	shalt  }
.Lfunc_end0:
.L_simem_size_0:
called_computation_lowered:
.L_overlay_start_0:
0x88: {  	s0 =	sld [smem:$0x3FD9]  }
0x89: {  	s1 =	sld [smem:$0x3FFE];
	_ =	sdelay $0x3  }
0x8a: {  	s0 =	sadd.s32 s1, s0  }
0x8b: {  	[smem:$0x3FC0] =	sst s0  }
0x8c: {  	_ = 	snop  }
0x8d: {  	s0 =	sld [smem:$0x3FC9]  }
0x8e: {  	s17 =	sld [smem:$0x3FC8]  }
0x8f: {  	s2 =	sld [smem:$0x3FC7]  }
0x90: {  	s3 =	sld [smem:$0x3FC6]  }
0x91: {  	s4 =	sld [smem:$0x3FC5]  }
0x92: {  	s5 =	sld [smem:$0x3FC4]  }
0x93: {  	s6 =	sld [smem:$0x3FC3]  }
0x94: {  	s7 =	sld [smem:$0x3FC2]  }
0x95: {  	s8 =	sld [smem:$0x3FD0];
	(tm) =	ssettm $0x1  }
0x96: {  	s9 =	sld [smem:$0x3FFB];
	_ =	sdelay $0x3  }
0x97: {  	_ =	strace s9  }
0x98: {  	s9 =	sld [smem:$0x3FFC];
	_ =	sdelay $0x3  }
0x99: {  	_ =	strace s9  }
0x9a: {  	s9 =	sld [smem:$0x3FFD];
	_ =	sdelay $0x3  }
0x9b: {  	_ =	strace s9  }
0x9c: {  	_ =	strace $0x8FFFFFFF  }
0x9d: {  	s18 =	sld [smem:$0x3FDB];
	_ =	sdelay $0x1  }
0x9e: {  	s10 =	simm.s32 $_scs_section_size  }
0x9f: {  	s11 =	simm.s32 $_size__tile_overlayer_lowered;
	s12 =	simm.s32 $_tile_overlayer_lowered  }
0xa0: {  	s21 =	simm.s32 $0x1BFF;
	s20 =	sshll.u32 s12, $0x1;
	s9 =	sadd.s32 s10, s18  }
0xa1: {  	s13 =	simm.s32 $0x0;
	s19 =	sshll.u32 s11, $0x1;
	s11 =	sadd.s32 s20, s9  }
0xa2: {  	[timem:s13], [sflag:s21] =	dma.local [hbm:s11], s19  }
0xa3: {  	_ =	swait.ge [sflag:s21], s19  }
0xa4: {  	s10 =	ssub.s32 $0x0, s19;
	[sflag:s21] =	ssyncset.done $0x0  }
0xa5: {  	[sflag:s21] =	ssyncadd.s32 s10;
	_ =	sdelay $0x1  }
0xa6: {  	s22 =	simm.s32 $0x1B8B  }
0xa7: {  	_ =	swait.ge [sflag:s22], $0x1  }
0xa8: {  	[sflag:s22] =	ssyncset.done $0x0  }
0xa9: {  	s23 =	simm.s32 $0x1B8E;
	[sflag:s22] =	ssyncadd.s32 $0xFFFFFFFF  }
0xaa: {  	s24 =	simm.s32 $execute0_lowered;
	[smem:$0x3FD2] =	sst s23  }
0xab: {  	s10 =	sshll.u32 s24, $0x1;
	_ =	strace $0x80000046;
	[dreg:$0x1] =	wrdreg $0xFFFFFFFF  }
0xac: {  	s25 =	simm.s32 $_size_execute0_lowered;
	s9 =	sadd.s32 s9, s10;
	[dreg:$0x0] =	wrdreg $0x0  }
0xad: {  	s10 =	sshll.u32 s25, $0x1;
	[dreg:$0x2] =	wrdreg s9  }
0xae: {  	[dreg:$0x3] =	wrdreg s10  }
0xaf: {  	[dreg:$0x4] =	wrdreg $0xC0  }
0xb0: {  	_ =	task [dreg:s13], $0x5FFFF  }
0xb1: {  	[dreg:$0x1] =	wrdreg $0xFFFFFFFF  }
0xb2: {  	[dreg:$0x0] =	wrdreg $0x60  }
0xb3: {  	[dreg:$0x2] =	wrdreg s0  }
0xb4: {  	[dreg:$0x3] =	wrdreg s17  }
0xb5: {  	[dreg:$0x4] =	wrdreg s2  }
0xb6: {  	[dreg:$0x5] =	wrdreg s3  }
0xb7: {  	[dreg:$0x6] =	wrdreg s4  }
0xb8: {  	[dreg:$0x7] =	wrdreg s5  }
0xb9: {  	[dreg:$0x8] =	wrdreg s6  }
0xba: {  	[dreg:$0x9] =	wrdreg s7  }
0xbb: {  	[dreg:$0xa] =	wrdreg s8  }
0xbc: {  	[dreg:$0xb] =	wrdreg $0x9  }
0xbd: {  	_ =	task.clear_ibuf [dreg:s13], $0xCFFFF;
	_ =	strace $0x90000046  }
0xbe: {  	s26 =	simm.s32 $0x9;
	_ =	strace $0x80000048  }
0xbf: {  	_ =	swait.ge [sflag:s26], $0x1  }
0xc0: {  	[sflag:s26] =	ssyncadd.s32 $0xFFFFFFFF  }
0xc1: {  	_ =	strace $0x90000048  }
0xc2: {  	_ =	sfence  }
0xc3: {  	s28 =	sld [smem:$0x0];
	_ =	sdelay $0x1  }
0xc4: {  	s29 =	srdreg.scid  }
0xc5: {  	s30 =	sshll.u32 s29, $0xD;
	s31 =	sshrl.u32 s29, $0x2  }
0xc6: {  	s1 =	sand.u32 $0x1, s29;
	s2 =	sand.u32 $0x4000, s30;
	s0 =	sadd.s32 s31, s28  }
0xc7: {  	s1 =	sor.u32 s2, s1;
	s0 =	sshll.u32 s0, $0x11  }
0xc8: {  	s0 =	sor.u32 s0, s1  }
0xc9: {  	s0 =	sadd.s32 $0x8F2B, s0  }
0xca: {  	[sflag:s0] =	ssyncadd.remote.s32 $0x1  }
0xcb: {  	_ =	sfence.sel $0xFFFF  }
0xcc: {  	[dreg:$0x0] =	wrdreg $0xFFFFFFFF;
	(pc) =	sbr.abs _section_cstart, $3  }
0xcd: {  	[dreg:$0x1] =	wrdreg $0xFFFFFFFF  }
0xce: {  	_ =	task.clear_ibuf [dreg:s13], $0x2FFFF;
	_ =	strace $0x9FFFFFFF  }
0xcf: {  	(tm) =	ssettm $0x7FFFFFFF  }
tec
execute0_lowered:
.L_overlay_start_1:
0x0: {  	(tag) =	ssettag $0x1  }
0x1: {  	s6 =	rddreg [dreg:$0x0]  }
0x2: {  	s4 =	rddreg [dreg:$0x1]  }
0x3: {  	s2 =	rddreg [dreg:$0x2]  }
0x4: {  	s8 =	rddreg [dreg:$0x3];
	s10 =	stileid.u32  }
0x5: {  	s3 =	rddreg [dreg:$0x4];
	p0 =	sne.s32 s10, $0x0  }
.Ltmp0:
0x6: {  	s9 =	rddreg [dreg:$0x5];
	(pc) =	sbr.rel @p0 .LBB2_4-.Ltmp0, $4  }
0x7: {  	s7 =	rddreg [dreg:$0x6]  }
0x8: {  	s5 =	rddreg [dreg:$0x7]  }
0x9: {  	s1 =	rddreg [dreg:$0x8]  }
0xa: {  	s0 =	rddreg [dreg:$0x9];
	_ =	strace $0x80000047  }
0xb: {  	s10 =	simm.s32 $0x0  }
0xc: {  	[tilespmem:s10], [sflag:$0x1] =	stream.linear.gather [hbm4b:s6+s10], $0x800, $0x38;
	[tilespmem:$0xA80] =	vst v63  }
0xd: {  	s23 =	simm.s32 $0x880  }
0xe: {  	[tilespmem:s23], [sflag:$0x1] =	stream.linear.gather [hbm4b:s8+s10], $0x40, $0x38;
	[tilespmem:$0xA80] =	vst v63  }
0xf: {  	s24 =	simm.s32 $0x8C0  }
0x10: {  	[tilespmem:s24], [sflag:$0x1] =	stream.linear.gather [hbm4b:s9+s10], $0x40, $0x38;
	[tilespmem:$0xA80] =	vst v63  }
0x11: {  	s25 =	simm.s32 $0x900  }
0x12: {  	[tilespmem:s25], [sflag:$0x1] =	stream.linear.gather [hbm4b:s7+s10], $0x40, $0x38;
	[tilespmem:$0xA80] =	vst v63  }
0x13: {  	s26 =	simm.s32 $0x940  }
0x14: {  	[tilespmem:s26], [sflag:$0x1] =	stream.linear.gather [hbm4b:s5+s10], $0x40, $0x38;
	[tilespmem:$0xA80] =	vst v63  }
0x15: {  	s28 =	simm.s32 $0x980  }
0x16: {  	[tilespmem:s28], [sflag:$0x1] =	stream.linear.gather [hbm4b:s4+s10], $0x1, $0x38;
	[tilespmem:$0xA80] =	vst v63  }
0x17: {  	s29 =	simm.s32 $0x988  }
0x18: {  	[tilespmem:s29], [sflag:$0x1] =	stream.linear.gather [hbm4b:s2+s10], $0x1, $0x38;
	[tilespmem:$0xA80] =	vst v63  }
0x19: {  	s30 =	simm.s32 $0x990;
	s31 =	simm.s32 $0x1  }
0x1a: {  	[tilespmem:s30], [sflag:$0x1] =	stream.linear.gather [hbm4b:s3+s10], $0x1, $0x38;
	[tilespmem:$0xA80] =	vst v63  }
0x1b: {  	_ =	swait.ge [sflag:s31], $0x800  }
0x1c: {  	[sflag:s31] =	ssyncset.done $0x0  }
0x1d: {  	[sflag:s31] =	ssyncadd.s32 $0xFFFFF800  }
0x1e: {  	_ =	swait.ge [sflag:s31], $0x40  }
0x1f: {  	[sflag:s31] =	ssyncset.done $0x0  }
0x20: {  	[sflag:s31] =	ssyncadd.s32 $0xFFFFFFC0  }
0x21: {  	_ =	swait.ge [sflag:s31], $0x40  }
0x22: {  	[sflag:s31] =	ssyncset.done $0x0  }
0x23: {  	[sflag:s31] =	ssyncadd.s32 $0xFFFFFFC0  }
0x24: {  	_ =	swait.ge [sflag:s31], $0x40  }
0x25: {  	[sflag:s31] =	ssyncset.done $0x0  }
0x26: {  	[sflag:s31] =	ssyncadd.s32 $0xFFFFFFC0  }
0x27: {  	_ =	swait.ge [sflag:s31], $0x40  }
0x28: {  	[sflag:s31] =	ssyncset.done $0x0  }
0x29: {  	[sflag:s31] =	ssyncadd.s32 $0xFFFFFFC0  }
0x2a: {  	_ =	swait.ge [sflag:s31], $0x1  }
0x2b: {  	[sflag:s31] =	ssyncset.done $0x0  }
0x2c: {  	[sflag:s31] =	ssyncadd.s32 $0xFFFFFFFF  }
0x2d: {  	_ =	swait.ge [sflag:s31], $0x1  }
0x2e: {  	[sflag:s31] =	ssyncset.done $0x0  }
0x2f: {  	[sflag:s31] =	ssyncadd.s32 $0xFFFFFFFF  }
0x30: {  	_ =	swait.ge [sflag:s31], $0x1  }
0x31: {  	[sflag:s31] =	ssyncset.done $0x0  }
0x32: {  	[sflag:s31] =	ssyncadd.s32 $0xFFFFFFFF  }
0x33: {  	v0 =	vld [tilespmem:$0x980]  }
0x34: {  	v1 =	vld [tilespmem:$0x880]  }
0x35: {  	v2 =	vld [tilespmem:$0x8C0]  }
0x36: {  	v3 =	vld [tilespmem:$0x900]  }
0x37: {  	v5 =	vld [tilespmem:$0x940]  }
0x38: {  	v6 =	vld [tilespmem:$0x890]  }
0x39: {  	v7 =	vld [tilespmem:$0x8D0]  }
0x3a: {  	v8 =	vld [tilespmem:$0x950]  }
0x3b: {  	v9 =	vimm.s32 $0x0;
	v11 =	vld [tilespmem:$0x910]  }
0x3c: {  	v12 =	vimm.s32 $0x8;
	v25 =	vimm.s32 $0xFEDCBA98;
	v27 =	vimm.s32 $0x76543210;
	v13 =	vld [tilespmem:$0x8A0]  }
0x3d: {  	v29 =	vimm.s32 $0xBA98FEDC;
	v30 =	vimm.s32 $0x32107654;
	v14 =	vld [tilespmem:$0x8E0];
	v10 =	vmul.f32 v2, v1  }
0x3e: {  	v36 =	vimm.s32 $0xDCFE98BA;
	v22 =	vld [tilespmem:$0x8B0];
	v4 =	vperm.xlane v0, v9;
	v0 =	vperm.xlane v0, v12  }
0x3f: {  	v37 =	vimm.s32 $0x54761032;
	v31 =	vld [tilespmem:$0x8F0];
	v63 =	vmul.f32 v1, v1;
	v15 =	vmul.f32 v2, v2  }
0x40: {  	v45 =	vimm.s32 $0xEFCDAB89;
	v2 =	vmul.f32 v3, v2;
	v16 =	vmul.f32 v6, v6  }
0x41: {  	v17 =	vmul.f32 v7, v6;
	v6 =	vsub.f32 v6, v8;
	v8 =	vmul.f32 v7, v7  }
0x42: {  	v47 =	vimm.s32 $0x67452301;
	v7 =	vmul.f32 v11, v7;
	v21 =	vmul.f32 v13, v13  }
0x43: {  	v1 =	vsub.f32 v1, v5;
	v23 =	vmul.f32 v14, v13;
	v26 =	vmul.f32 v14, v14  }
0x44: {  	v3 =	vld [tilespmem:$0x960];
	v11 =	vunpack.c.l.s4.s8 v27;
	v28 =	vmul.f32 v22, v22;
	v38 =	vmul.f32 v31, v22  }
0x45: {  	v5 =	vld [tilespmem:$0x990];
	v10 =	vadd.f32 $0.0e+00, v10;
	v1 =	vmul.f32 v1, v1;
	v2 =	vadd.f32 $0.0e+00, v2  }
0x46: {  	v24 =	vld [tilespmem:$0x970];
	v12 =	vadd.f32 v16, v63;
	v6 =	vmul.f32 v6, v6;
	v8 =	vadd.f32 v8, v15  }
0x47: {  	v39 =	vmul.f32 v31, v31;
	v57 =	vsub.f32 $0.0e+00, v0;
	v63 =	vsub.f32 $0.0e+00, v4  }
0x48: {  	v16 =	vunpack.c.l.s4.s8 v30;
	v10 =	vadd.f32 v17, v10;
	v6 =	vadd.f32 v6, v1  }
0x49: {  	v11 =	vunpack.c.0.s8.s32 v11;
	v2 =	vadd.f32 v7, v2;
	v8 =	vadd.f32 v26, v8  }
0x4a: {  	v35 =	vunpack.c.0.s8.s32 v16;
	v3 =	vsub.f32 v13, v3;
	v1 =	vperm.xlane v5, v9  }
0x4b: {  	v20 =	vld [tilespmem:$0x920];
	v5 =	vadd.f32 v21, v12;
	v9 =	vunpack.c.l.s4.s8 v25;
	v13 =	vsub.f32 v22, v24  }
0x4c: {  	v12 =	vunpack.c.l.s4.s8 v36;
	v7 =	vadd.f32 v23, v10;
	v8 =	vadd.f32 v39, v8  }
0x4d: {  	v32 =	vld [tilespmem:$0x930];
	v3 =	vmul.f32 v3, v3;
	v9 =	vunpack.c.0.s8.s32 v9;
	v5 =	vadd.f32 v28, v5  }
0x4e: {  	v33 =	vmul.f32 v13, v13;
	v13 =	vunpack.c.l.s4.s8 v37;
	v40 =	vunpack.c.0.s8.s32 v12  }
0x4f: {  	v12 =	vunpack.c.l.s4.s8 v45;
	v7 =	vadd.f32 v38, v7;
	v3 =	vadd.f32 v3, v6  }
0x50: {  	v6 =	vmul.f32 v20, v14;
	v9 =	vand.u32 $0xF, v9;
	v14 =	vunpack.c.l.s4.s8 v29  }
0x51: {  	v41 =	vunpack.c.0.s8.s32 v13;
	v9 =	vcombine.low v9, v11;
	v3 =	vadd.f32 v33, v3  }
0x52: {  	v12 =	vunpack.c.0.s8.s32 v12;
	v11 =	vmul.f32 v32, v31;
	v34 =	vunpack.c.0.s8.s32 v14  }
0x53: {  	v2 =	vadd.f32 v6, v2;
	v6 =	vperm.xlane v5, v9;
	v43 =	vperm.xlane v3, v9  }
0x54: {  	v14 =	vunpack.c.l.s4.s8 v47;
	v44 =	vperm.xlane v7, v9;
	v10 =	vcombine.low v35, v34  }
0x55: {  	v46 =	vperm.xlane v8, v9;
	v2 =	vadd.f32 v11, v2;
	v3 =	vadd.f32 v43, v3  }
0x56: {  	v5 =	vadd.f32 v6, v5;
	v7 =	vadd.f32 v44, v7;
	v6 =	vand.u32 $0xF, v10  }
0x57: {  	v8 =	vadd.f32 v46, v8;
	v10 =	vcombine.low v41, v40;
	v48 =	vperm.xlane v3, v6  }
0x58: {  	v14 =	vunpack.c.0.s8.s32 v14;
	v42 =	vperm.xlane v5, v6;
	v49 =	vperm.xlane v7, v6  }
0x59: {  	v9 =	vperm.xlane v2, v9;
	v51 =	vperm.xlane v8, v6;
	v3 =	vadd.f32 v48, v3  }
0x5a: {  	v52 =	vld [tilespmem:$0x0];
	v10 =	vand.u32 $0xF, v10;
	v5 =	vadd.f32 v42, v5;
	v7 =	vadd.f32 v49, v7  }
0x5b: {  	v12 =	vcombine.low v14, v12;
	v2 =	vadd.f32 v9, v2;
	v53 =	vperm.xlane v3, v10  }
0x5c: {  	v8 =	vadd.f32 v51, v8;
	v50 =	vperm.xlane v5, v10;
	v54 =	vperm.xlane v7, v10  }
0x5d: {  	v55 =	vand.u32 $0xF, v12;
	v6 =	vperm.xlane v2, v6;
	v3 =	vadd.f32 v53, v3  }
0x5e: {  	v56 =	vperm.xlane v8, v10;
	v5 =	vadd.f32 v50, v5;
	v7 =	vadd.f32 v54, v7  }
0x5f: {  	v9 =	vsub.f32 v1, v52;
	v2 =	vadd.f32 v6, v2;
	v6 =	vperm.xlane v3, v55  }
0x60: {  	v8 =	vadd.f32 v56, v8;
	v58 =	vperm.xlane v5, v55;
	v59 =	vperm.xlane v7, v55  }
0x61: {  	v60 =	vmul.f32 v9, v57;
	v3 =	vadd.f32 v6, v3;
	v6 =	vperm.xlane v2, v10  }
0x62: {  	v61 =	vperm.xlane v8, v55;
	v5 =	vadd.f32 v58, v5;
	v7 =	vadd.f32 v59, v7  }
0x63: {  	v2 =	vadd.f32 v6, v2;
	v6 =	vmul.f32 v60, v9;
	v62 =	vmul.f32 v3, v4  }
0x64: {  	v7 =	vadd.f32 v7, v7  }
0x65: {  	v8 =	vadd.f32 v61, v8;
	v5 =	vmul.f32 v5, v63;
	v9 =	vsub.f32 v6, v62  }
0x66: {  	v3 =	vperm.xlane v2, v55;
	v6 =	vmul.f32 v7, v4  }
0x67: {  	s2 =	simm.s32 $0x0;
	s3 =	simm.s32 $0x5C;
	v4 =	vmul.f32 v8, v63;
	v7 =	vmul.f32 $1.442695020e+00, v9  }
.LBB2_2:
0x68: {  	p1 =	sne.s32 s3, $0x1FA0;
	v8 =	vld [tilespmem:s2+$0x1]  }
0x69: {  	(erf) = vpow2.f32 v7;
	_ =	sdelay $0x3  }
0x6a: {  	v7 =	vsub.f32 v1, v8;
	_ =	sdelay $0x1  }
0x6b: {  	v9 =	vmul.f32 v7, v0;
	_ =	sdelay $0x1  }
0x6c: {  	v7 =	vmul.f32 v9, v7  }
0x6d: {  	v8 =	vpop (erf)  }
0x6e: {  	v9 =	vmul.f32 v8, v8;
	v7 =	vsub.f32 v5, v7;
	v8 =	vmul.f32 v8, v6;
	_ =	sdelay $0x1  }
0x6f: {  	v7 =	vadd.f32 v7, v8;
	v8 =	vmul.f32 v9, v4;
	_ =	sdelay $0x1  }
0x70: {  	v7 =	vadd.f32 v7, v8;
	_ =	sdelay $0x1  }
0x71: {  	v7 =	vmul.f32 $1.442695020e+00, v7  }
0x72: {  	v8 =	vld [tilespmem:s2+$0x2]  }
0x73: {  	(erf) = vpow2.f32 v7;
	_ =	sdelay $0x3  }
0x74: {  	v7 =	vsub.f32 v1, v8;
	_ =	sdelay $0x1  }
0x75: {  	v9 =	vmul.f32 v7, v0;
	_ =	sdelay $0x1  }
0x76: {  	v7 =	vmul.f32 v9, v7  }
0x77: {  	v8 =	vpop (erf)  }
0x78: {  	v9 =	vmul.f32 v8, v8;
	v7 =	vsub.f32 v5, v7;
	v8 =	vmul.f32 v8, v6;
	_ =	sdelay $0x1  }
0x79: {  	v7 =	vadd.f32 v8, v7;
	v8 =	vmul.f32 v9, v4;
	_ =	sdelay $0x1  }
0x7a: {  	v7 =	vadd.f32 v8, v7;
	_ =	sdelay $0x1  }
0x7b: {  	v7 =	vmul.f32 $1.442695020e+00, v7  }
0x7c: {  	v8 =	vld [tilespmem:s2+$0x3]  }
0x7d: {  	(erf) = vpow2.f32 v7;
	_ =	sdelay $0x3  }
0x7e: {  	v7 =	vsub.f32 v1, v8;
	_ =	sdelay $0x1  }
0x7f: {  	v9 =	vmul.f32 v7, v0;
	_ =	sdelay $0x1  }
0x80: {  	v7 =	vmul.f32 v9, v7  }
0x81: {  	v8 =	vpop (erf)  }
0x82: {  	v9 =	vmul.f32 v8, v8;
	v7 =	vsub.f32 v5, v7;
	v8 =	vmul.f32 v8, v6;
	_ =	sdelay $0x1  }
0x83: {  	v7 =	vadd.f32 v8, v7;
	v8 =	vmul.f32 v9, v4;
	_ =	sdelay $0x1  }
0x84: {  	v7 =	vadd.f32 v8, v7;
	_ =	sdelay $0x1  }
0x85: {  	v7 =	vmul.f32 $1.442695020e+00, v7  }
0x86: {  	v8 =	vld [tilespmem:s2+$0x4]  }
0x87: {  	(erf) = vpow2.f32 v7;
	_ =	sdelay $0x3  }
0x88: {  	v7 =	vsub.f32 v1, v8;
	_ =	sdelay $0x1  }
0x89: {  	v9 =	vmul.f32 v7, v0;
	_ =	sdelay $0x1  }
0x8a: {  	v7 =	vmul.f32 v9, v7  }
0x8b: {  	v8 =	vpop (erf)  }
0x8c: {  	v9 =	vmul.f32 v8, v8;
	v7 =	vsub.f32 v5, v7;
	v8 =	vmul.f32 v8, v6;
	_ =	sdelay $0x1  }
0x8d: {  	v7 =	vadd.f32 v8, v7;
	v8 =	vmul.f32 v9, v4;
	_ =	sdelay $0x1  }
0x8e: {  	v7 =	vadd.f32 v8, v7;
	_ =	sdelay $0x1  }
0x8f: {  	v7 =	vmul.f32 $1.442695020e+00, v7  }
0x90: {  	v8 =	vld [tilespmem:s2+$0x5]  }
0x91: {  	(erf) = vpow2.f32 v7;
	_ =	sdelay $0x3  }
0x92: {  	v7 =	vsub.f32 v1, v8;
	_ =	sdelay $0x1  }
0x93: {  	v9 =	vmul.f32 v7, v0;
	_ =	sdelay $0x1  }
0x94: {  	v7 =	vmul.f32 v9, v7  }
0x95: {  	v8 =	vpop (erf)  }
0x96: {  	v9 =	vmul.f32 v8, v8;
	v7 =	vsub.f32 v5, v7;
	v8 =	vmul.f32 v8, v6;
	_ =	sdelay $0x1  }
0x97: {  	v7 =	vadd.f32 v8, v7;
	v8 =	vmul.f32 v9, v4;
	_ =	sdelay $0x1  }
0x98: {  	v7 =	vadd.f32 v8, v7;
	_ =	sdelay $0x1  }
0x99: {  	v7 =	vmul.f32 $1.442695020e+00, v7  }
0x9a: {  	v8 =	vld [tilespmem:s2+$0x6]  }
0x9b: {  	(erf) = vpow2.f32 v7;
	_ =	sdelay $0x3  }
0x9c: {  	v7 =	vsub.f32 v1, v8;
	_ =	sdelay $0x1  }
0x9d: {  	v9 =	vmul.f32 v7, v0;
	_ =	sdelay $0x1  }
0x9e: {  	v7 =	vmul.f32 v9, v7  }
0x9f: {  	v8 =	vpop (erf)  }
0xa0: {  	v9 =	vmul.f32 v8, v8;
	v7 =	vsub.f32 v5, v7;
	v8 =	vmul.f32 v8, v6;
	_ =	sdelay $0x1  }
0xa1: {  	v7 =	vadd.f32 v8, v7;
	v8 =	vmul.f32 v9, v4;
	_ =	sdelay $0x1  }
0xa2: {  	v7 =	vadd.f32 v8, v7;
	_ =	sdelay $0x1  }
0xa3: {  	v7 =	vmul.f32 $1.442695020e+00, v7  }
0xa4: {  	v8 =	vld [tilespmem:s2+$0x7]  }
0xa5: {  	(erf) = vpow2.f32 v7;
	_ =	sdelay $0x3  }
0xa6: {  	v7 =	vsub.f32 v1, v8;
	_ =	sdelay $0x1  }
0xa7: {  	v9 =	vmul.f32 v7, v0;
	_ =	sdelay $0x1  }
0xa8: {  	v7 =	vmul.f32 v9, v7  }
0xa9: {  	v8 =	vpop (erf)  }
0xaa: {  	v9 =	vmul.f32 v8, v8;
	v7 =	vsub.f32 v5, v7;
	v8 =	vmul.f32 v8, v6;
	_ =	sdelay $0x1  }
0xab: {  	v7 =	vadd.f32 v8, v7;
	v8 =	vmul.f32 v9, v4;
	_ =	sdelay $0x1  }
0xac: {  	v7 =	vadd.f32 v8, v7;
	_ =	sdelay $0x1  }
0xad: {  	v7 =	vmul.f32 $1.442695020e+00, v7  }
0xae: {  	v8 =	vld [tilespmem:s2+$0x8]  }
0xaf: {  	(erf) = vpow2.f32 v7;
	_ =	sdelay $0x3  }
0xb0: {  	v7 =	vsub.f32 v1, v8;
	_ =	sdelay $0x1  }
0xb1: {  	v9 =	vmul.f32 v7, v0;
	_ =	sdelay $0x1  }
0xb2: {  	v7 =	vmul.f32 v9, v7  }
0xb3: {  	v8 =	vpop (erf)  }
0xb4: {  	v9 =	vmul.f32 v8, v8;
	v7 =	vsub.f32 v5, v7;
	v8 =	vmul.f32 v8, v6;
	_ =	sdelay $0x1  }
0xb5: {  	v7 =	vadd.f32 v8, v7;
	v8 =	vmul.f32 v9, v4;
	_ =	sdelay $0x1  }
0xb6: {  	v7 =	vadd.f32 v8, v7;
	_ =	sdelay $0x1  }
0xb7: {  	v7 =	vmul.f32 $1.442695020e+00, v7  }
0xb8: {  	v8 =	vld [tilespmem:s2+$0x9]  }
0xb9: {  	(erf) = vpow2.f32 v7;
	_ =	sdelay $0x3  }
0xba: {  	v7 =	vsub.f32 v1, v8;
	_ =	sdelay $0x1  }
0xbb: {  	v9 =	vmul.f32 v7, v0;
	_ =	sdelay $0x1  }
0xbc: {  	v7 =	vmul.f32 v9, v7  }
0xbd: {  	v8 =	vpop (erf)  }
0xbe: {  	v9 =	vmul.f32 v8, v8;
	v7 =	vsub.f32 v5, v7;
	v8 =	vmul.f32 v8, v6;
	_ =	sdelay $0x1  }
0xbf: {  	v7 =	vadd.f32 v8, v7;
	v8 =	vmul.f32 v9, v4;
	_ =	sdelay $0x1  }
0xc0: {  	v7 =	vadd.f32 v8, v7;
	_ =	sdelay $0x1  }
0xc1: {  	v7 =	vmul.f32 $1.442695020e+00, v7  }
0xc2: {  	v8 =	vld [tilespmem:s2+$0xA]  }
0xc3: {  	(erf) = vpow2.f32 v7;
	_ =	sdelay $0x3  }
0xc4: {  	v7 =	vsub.f32 v1, v8;
	_ =	sdelay $0x1  }
0xc5: {  	v9 =	vmul.f32 v7, v0;
	_ =	sdelay $0x1  }
0xc6: {  	v7 =	vmul.f32 v9, v7  }
0xc7: {  	v8 =	vpop (erf)  }
0xc8: {  	v9 =	vmul.f32 v8, v8;
	v7 =	vsub.f32 v5, v7;
	v8 =	vmul.f32 v8, v6;
	_ =	sdelay $0x1  }
0xc9: {  	v7 =	vadd.f32 v8, v7;
	v8 =	vmul.f32 v9, v4;
	_ =	sdelay $0x1  }
0xca: {  	v7 =	vadd.f32 v8, v7;
	_ =	sdelay $0x1  }
0xcb: {  	v7 =	vmul.f32 $1.442695020e+00, v7  }
0xcc: {  	v8 =	vld [tilespmem:s2+$0xB]  }
0xcd: {  	(erf) = vpow2.f32 v7;
	_ =	sdelay $0x3  }
0xce: {  	v7 =	vsub.f32 v1, v8;
	_ =	sdelay $0x1  }
0xcf: {  	v9 =	vmul.f32 v7, v0;
	_ =	sdelay $0x1  }
0xd0: {  	v7 =	vmul.f32 v9, v7  }
0xd1: {  	v8 =	vpop (erf)  }
0xd2: {  	v9 =	vmul.f32 v8, v8;
	v7 =	vsub.f32 v5, v7;
	v8 =	vmul.f32 v8, v6;
	_ =	sdelay $0x1  }
0xd3: {  	v7 =	vadd.f32 v8, v7;
	v8 =	vmul.f32 v9, v4;
	_ =	sdelay $0x1  }
0xd4: {  	v7 =	vadd.f32 v8, v7;
	_ =	sdelay $0x1  }
0xd5: {  	v7 =	vmul.f32 $1.442695020e+00, v7  }
0xd6: {  	v8 =	vld [tilespmem:s2+$0xC]  }
0xd7: {  	(erf) = vpow2.f32 v7;
	_ =	sdelay $0x3  }
0xd8: {  	v7 =	vsub.f32 v1, v8;
	_ =	sdelay $0x1  }
0xd9: {  	v9 =	vmul.f32 v7, v0;
	_ =	sdelay $0x1  }
0xda: {  	v7 =	vmul.f32 v9, v7  }
0xdb: {  	v8 =	vpop (erf)  }
0xdc: {  	v9 =	vmul.f32 v8, v8;
	v7 =	vsub.f32 v5, v7;
	v8 =	vmul.f32 v8, v6;
	_ =	sdelay $0x1  }
0xdd: {  	v7 =	vadd.f32 v8, v7;
	v8 =	vmul.f32 v9, v4;
	_ =	sdelay $0x1  }
0xde: {  	v7 =	vadd.f32 v8, v7;
	_ =	sdelay $0x1  }
0xdf: {  	v7 =	vmul.f32 $1.442695020e+00, v7  }
0xe0: {  	v8 =	vld [tilespmem:s2+$0xD]  }
0xe1: {  	(erf) = vpow2.f32 v7;
	_ =	sdelay $0x3  }
0xe2: {  	v7 =	vsub.f32 v1, v8;
	_ =	sdelay $0x1  }
0xe3: {  	v9 =	vmul.f32 v7, v0;
	_ =	sdelay $0x1  }
0xe4: {  	v7 =	vmul.f32 v9, v7  }
0xe5: {  	v8 =	vpop (erf)  }
0xe6: {  	v9 =	vmul.f32 v8, v8;
	v7 =	vsub.f32 v5, v7;
	v8 =	vmul.f32 v8, v6;
	_ =	sdelay $0x1  }
0xe7: {  	v7 =	vadd.f32 v8, v7;
	v8 =	vmul.f32 v9, v4;
	_ =	sdelay $0x1  }
0xe8: {  	v7 =	vadd.f32 v8, v7;
	_ =	sdelay $0x1  }
0xe9: {  	v7 =	vmul.f32 $1.442695020e+00, v7  }
0xea: {  	v8 =	vld [tilespmem:s2+$0xE]  }
0xeb: {  	(erf) = vpow2.f32 v7;
	_ =	sdelay $0x3  }
0xec: {  	v7 =	vsub.f32 v1, v8;
	_ =	sdelay $0x1  }
0xed: {  	v9 =	vmul.f32 v7, v0;
	_ =	sdelay $0x1  }
0xee: {  	v7 =	vmul.f32 v9, v7  }
0xef: {  	v8 =	vpop (erf)  }
0xf0: {  	v9 =	vmul.f32 v8, v8;
	v7 =	vsub.f32 v5, v7;
	v8 =	vmul.f32 v8, v6;
	_ =	sdelay $0x1  }
0xf1: {  	v7 =	vadd.f32 v8, v7;
	v8 =	vmul.f32 v9, v4;
	_ =	sdelay $0x1  }
0xf2: {  	v7 =	vadd.f32 v8, v7;
	_ =	sdelay $0x1  }
0xf3: {  	v7 =	vmul.f32 $1.442695020e+00, v7  }
0xf4: {  	v8 =	vld [tilespmem:s2+$0xF]  }
0xf5: {  	(erf) = vpow2.f32 v7;
	_ =	sdelay $0x3  }
0xf6: {  	v7 =	vsub.f32 v1, v8;
	_ =	sdelay $0x1  }
0xf7: {  	v9 =	vmul.f32 v7, v0;
	_ =	sdelay $0x1  }
0xf8: {  	v7 =	vmul.f32 v9, v7  }
0xf9: {  	v8 =	vpop (erf)  }
0xfa: {  	v9 =	vmul.f32 v8, v8;
	v7 =	vsub.f32 v5, v7;
	v8 =	vmul.f32 v8, v6;
	_ =	sdelay $0x1  }
0xfb: {  	v7 =	vadd.f32 v8, v7;
	v8 =	vmul.f32 v9, v4;
	_ =	sdelay $0x1  }
0xfc: {  	v7 =	vadd.f32 v8, v7;
	_ =	sdelay $0x1  }
0xfd: {  	v7 =	vmul.f32 $1.442695020e+00, v7  }
0xfe: {  	v8 =	vld [tilespmem:s2+$0x10]  }
0xff: {  	(erf) = vpow2.f32 v7;
	_ =	sdelay $0x3  }
0x100: {  	v7 =	vsub.f32 v1, v8;
	_ =	sdelay $0x1  }
0x101: {  	v9 =	vmul.f32 v7, v0;
	_ =	sdelay $0x1  }
0x102: {  	v7 =	vmul.f32 v9, v7  }
0x103: {  	v8 =	vpop (erf)  }
0x104: {  	v9 =	vmul.f32 v8, v8;
	v7 =	vsub.f32 v5, v7;
	v8 =	vmul.f32 v8, v6;
	_ =	sdelay $0x1  }
0x105: {  	v7 =	vadd.f32 v8, v7;
	v8 =	vmul.f32 v9, v4;
	_ =	sdelay $0x1  }
0x106: {  	v7 =	vadd.f32 v8, v7;
	_ =	sdelay $0x1  }
0x107: {  	v7 =	vmul.f32 $1.442695020e+00, v7  }
0x108: {  	v8 =	vld [tilespmem:s2+$0x11]  }
0x109: {  	(erf) = vpow2.f32 v7;
	_ =	sdelay $0x3  }
0x10a: {  	v7 =	vsub.f32 v1, v8;
	_ =	sdelay $0x1  }
0x10b: {  	v9 =	vmul.f32 v7, v0;
	_ =	sdelay $0x1  }
0x10c: {  	v7 =	vmul.f32 v9, v7  }
0x10d: {  	v8 =	vpop (erf)  }
0x10e: {  	v9 =	vmul.f32 v8, v8;
	v7 =	vsub.f32 v5, v7;
	v8 =	vmul.f32 v8, v6;
	_ =	sdelay $0x1  }
0x10f: {  	v7 =	vadd.f32 v8, v7;
	v8 =	vmul.f32 v9, v4;
	_ =	sdelay $0x1  }
0x110: {  	v7 =	vadd.f32 v8, v7;
	_ =	sdelay $0x1  }
0x111: {  	v7 =	vmul.f32 $1.442695020e+00, v7  }
0x112: {  	v8 =	vld [tilespmem:s2+$0x12]  }
0x113: {  	(erf) = vpow2.f32 v7;
	_ =	sdelay $0x3  }
0x114: {  	v7 =	vsub.f32 v1, v8;
	_ =	sdelay $0x1  }
0x115: {  	v9 =	vmul.f32 v7, v0;
	_ =	sdelay $0x1  }
0x116: {  	v7 =	vmul.f32 v9, v7  }
0x117: {  	v8 =	vpop (erf)  }
0x118: {  	v9 =	vmul.f32 v8, v8;
	v7 =	vsub.f32 v5, v7;
	v8 =	vmul.f32 v8, v6;
	_ =	sdelay $0x1  }
0x119: {  	v7 =	vadd.f32 v8, v7;
	v8 =	vmul.f32 v9, v4;
	_ =	sdelay $0x1  }
0x11a: {  	v7 =	vadd.f32 v8, v7;
	_ =	sdelay $0x1  }
0x11b: {  	v7 =	vmul.f32 $1.442695020e+00, v7  }
0x11c: {  	v8 =	vld [tilespmem:s2+$0x13]  }
0x11d: {  	(erf) = vpow2.f32 v7;
	_ =	sdelay $0x3  }
0x11e: {  	v7 =	vsub.f32 v1, v8;
	_ =	sdelay $0x1  }
0x11f: {  	v9 =	vmul.f32 v7, v0;
	_ =	sdelay $0x1  }
0x120: {  	v7 =	vmul.f32 v9, v7  }
0x121: {  	v8 =	vpop (erf)  }
0x122: {  	v9 =	vmul.f32 v8, v8;
	v7 =	vsub.f32 v5, v7;
	v8 =	vmul.f32 v8, v6;
	_ =	sdelay $0x1  }
0x123: {  	v7 =	vadd.f32 v8, v7;
	v8 =	vmul.f32 v9, v4;
	_ =	sdelay $0x1  }
0x124: {  	v7 =	vadd.f32 v8, v7;
	_ =	sdelay $0x1  }
0x125: {  	v7 =	vmul.f32 $1.442695020e+00, v7  }
0x126: {  	v8 =	vld [tilespmem:s2+$0x14]  }
0x127: {  	(erf) = vpow2.f32 v7;
	_ =	sdelay $0x3  }
0x128: {  	v7 =	vsub.f32 v1, v8;
	_ =	sdelay $0x1  }
0x129: {  	v9 =	vmul.f32 v7, v0;
	_ =	sdelay $0x1  }
0x12a: {  	v7 =	vmul.f32 v9, v7  }
0x12b: {  	v8 =	vpop (erf)  }
0x12c: {  	v9 =	vmul.f32 v8, v8;
	v7 =	vsub.f32 v5, v7;
	v8 =	vmul.f32 v8, v6;
	_ =	sdelay $0x1  }
0x12d: {  	v7 =	vadd.f32 v8, v7;
	v8 =	vmul.f32 v9, v4;
	_ =	sdelay $0x1  }
0x12e: {  	v7 =	vadd.f32 v8, v7;
	_ =	sdelay $0x1  }
0x12f: {  	v7 =	vmul.f32 $1.442695020e+00, v7  }
0x130: {  	v8 =	vld [tilespmem:s2+$0x15]  }
0x131: {  	(erf) = vpow2.f32 v7;
	_ =	sdelay $0x3  }
0x132: {  	v7 =	vsub.f32 v1, v8;
	_ =	sdelay $0x1  }
0x133: {  	v9 =	vmul.f32 v7, v0;
	_ =	sdelay $0x1  }
0x134: {  	v7 =	vmul.f32 v9, v7  }
0x135: {  	v8 =	vpop (erf)  }
0x136: {  	v9 =	vmul.f32 v8, v8;
	v7 =	vsub.f32 v5, v7;
	v8 =	vmul.f32 v8, v6;
	_ =	sdelay $0x1  }
0x137: {  	v7 =	vadd.f32 v8, v7;
	v8 =	vmul.f32 v9, v4;
	_ =	sdelay $0x1  }
0x138: {  	v7 =	vadd.f32 v8, v7;
	_ =	sdelay $0x1  }
0x139: {  	v7 =	vmul.f32 $1.442695020e+00, v7  }
0x13a: {  	v8 =	vld [tilespmem:s2+$0x16]  }
0x13b: {  	(erf) = vpow2.f32 v7;
	_ =	sdelay $0x3  }
0x13c: {  	v7 =	vsub.f32 v1, v8;
	_ =	sdelay $0x1  }
0x13d: {  	v9 =	vmul.f32 v7, v0;
	_ =	sdelay $0x1  }
0x13e: {  	v7 =	vmul.f32 v9, v7  }
0x13f: {  	v8 =	vpop (erf)  }
0x140: {  	v9 =	vmul.f32 v8, v8;
	v7 =	vsub.f32 v5, v7;
	v8 =	vmul.f32 v8, v6;
	_ =	sdelay $0x1  }
0x141: {  	v7 =	vadd.f32 v8, v7;
	v8 =	vmul.f32 v9, v4;
	_ =	sdelay $0x1  }
0x142: {  	v7 =	vadd.f32 v8, v7;
	_ =	sdelay $0x1  }
0x143: {  	v7 =	vmul.f32 $1.442695020e+00, v7  }
0x144: {  	v8 =	vld [tilespmem:s2+$0x17]  }
0x145: {  	(erf) = vpow2.f32 v7;
	_ =	sdelay $0x3  }
0x146: {  	v7 =	vsub.f32 v1, v8;
	_ =	sdelay $0x1  }
0x147: {  	v9 =	vmul.f32 v7, v0;
	_ =	sdelay $0x1  }
0x148: {  	v7 =	vmul.f32 v9, v7  }
0x149: {  	v8 =	vpop (erf)  }
0x14a: {  	v9 =	vmul.f32 v8, v8;
	v7 =	vsub.f32 v5, v7;
	v8 =	vmul.f32 v8, v6;
	_ =	sdelay $0x1  }
.Ltmp1:
0x14b: {  	v7 =	vadd.f32 v8, v7;
	v8 =	vmul.f32 v9, v4;
	(pc) =	sbr.rel @p1 .LBB2_2-.Ltmp1, $3  }
0x14c: {  	_ = 	snop  }
0x14d: {  	v7 =	vadd.f32 v8, v7;
	_ =	sdelay $0x1  }
0x14e: {  	s2 =	sshra.s32 s3, $0x2;
	s3 =	sadd.s32 $0x5C, s3;
	v7 =	vmul.f32 $1.442695020e+00, v7  }
0x14f: {  	v8 =	vld [tilespmem:s2+$0x1]  }
0x150: {  	(erf) = vpow2.f32 v7;
	_ =	sdelay $0x3  }
0x151: {  	v52 =	vsub.f32 v1, v8;
	_ =	sdelay $0x1  }
0x152: {  	v8 =	vmul.f32 v52, v0;
	_ =	sdelay $0x1  }
0x153: {  	v7 =	vmul.f32 v8, v52  }
0x154: {  	v53 =	vpop (erf)  }
0x155: {  	v9 =	vmul.f32 v53, v53;
	v7 =	vsub.f32 v5, v7;
	v8 =	vmul.f32 v53, v6;
	_ =	sdelay $0x1  }
0x156: {  	v7 =	vadd.f32 v7, v8;
	v54 =	vmul.f32 v9, v4;
	_ =	sdelay $0x1  }
0x157: {  	v7 =	vadd.f32 v7, v54;
	_ =	sdelay $0x1  }
0x158: {  	v7 =	vmul.f32 $1.442695020e+00, v7  }
0x159: {  	v55 =	vld [tilespmem:s2+$0x2]  }
0x15a: {  	(erf) = vpow2.f32 v7;
	_ =	sdelay $0x3  }
0x15b: {  	v56 =	vsub.f32 v1, v55;
	_ =	sdelay $0x1  }
0x15c: {  	v8 =	vmul.f32 v56, v0;
	_ =	sdelay $0x1  }
0x15d: {  	v7 =	vmul.f32 v8, v56  }
0x15e: {  	v57 =	vpop (erf)  }
0x15f: {  	v7 =	vsub.f32 v5, v7;
	v58 =	vmul.f32 v57, v57;
	v8 =	vmul.f32 v57, v6;
	_ =	sdelay $0x1  }
0x160: {  	v7 =	vadd.f32 v8, v7;
	v59 =	vmul.f32 v58, v4;
	_ =	sdelay $0x1  }
0x161: {  	v7 =	vadd.f32 v59, v7;
	_ =	sdelay $0x1  }
0x162: {  	v7 =	vmul.f32 $1.442695020e+00, v7  }
0x163: {  	v60 =	vld [tilespmem:s2+$0x3]  }
0x164: {  	(erf) = vpow2.f32 v7;
	_ =	sdelay $0x3  }
0x165: {  	v61 =	vsub.f32 v1, v60;
	_ =	sdelay $0x1  }
0x166: {  	v8 =	vmul.f32 v61, v0;
	_ =	sdelay $0x1  }
0x167: {  	v7 =	vmul.f32 v8, v61  }
0x168: {  	v62 =	vpop (erf)  }
0x169: {  	v7 =	vsub.f32 v5, v7;
	v63 =	vmul.f32 v62, v62;
	v8 =	vmul.f32 v62, v6;
	_ =	sdelay $0x1  }
0x16a: {  	v7 =	vadd.f32 v8, v7;
	v12 =	vmul.f32 v63, v4;
	_ =	sdelay $0x1  }
0x16b: {  	v7 =	vadd.f32 v12, v7;
	_ =	sdelay $0x1  }
0x16c: {  	v7 =	vmul.f32 $1.442695020e+00, v7  }
0x16d: {  	v13 =	vld [tilespmem:s2+$0x4]  }
0x16e: {  	(erf) = vpow2.f32 v7;
	_ =	sdelay $0x3  }
0x16f: {  	v14 =	vsub.f32 v1, v13;
	_ =	sdelay $0x1  }
0x170: {  	v8 =	vmul.f32 v14, v0;
	_ =	sdelay $0x1  }
0x171: {  	v7 =	vmul.f32 v8, v14  }
0x172: {  	v15 =	vpop (erf)  }
0x173: {  	v7 =	vsub.f32 v5, v7;
	v16 =	vmul.f32 v15, v15;
	v8 =	vmul.f32 v15, v6;
	_ =	sdelay $0x1  }
0x174: {  	v7 =	vadd.f32 v8, v7;
	v17 =	vmul.f32 v16, v4;
	_ =	sdelay $0x1  }
0x175: {  	v7 =	vadd.f32 v17, v7;
	_ =	sdelay $0x1  }
0x176: {  	v7 =	vmul.f32 $1.442695020e+00, v7  }
0x177: {  	v18 =	vld [tilespmem:s2+$0x5]  }
0x178: {  	(erf) = vpow2.f32 v7;
	_ =	sdelay $0x3  }
0x179: {  	v19 =	vsub.f32 v1, v18;
	_ =	sdelay $0x1  }
0x17a: {  	v8 =	vmul.f32 v19, v0;
	_ =	sdelay $0x1  }
0x17b: {  	v7 =	vmul.f32 v8, v19  }
0x17c: {  	v20 =	vpop (erf)  }
0x17d: {  	v7 =	vsub.f32 v5, v7;
	v21 =	vmul.f32 v20, v20;
	v8 =	vmul.f32 v20, v6;
	_ =	sdelay $0x1  }
0x17e: {  	v7 =	vadd.f32 v8, v7;
	v22 =	vmul.f32 v21, v4;
	_ =	sdelay $0x1  }
0x17f: {  	v7 =	vadd.f32 v22, v7;
	_ =	sdelay $0x1  }
0x180: {  	v7 =	vmul.f32 $1.442695020e+00, v7  }
0x181: {  	v23 =	vld [tilespmem:s2+$0x6]  }
0x182: {  	(erf) = vpow2.f32 v7;
	_ =	sdelay $0x3  }
0x183: {  	v24 =	vsub.f32 v1, v23;
	_ =	sdelay $0x1  }
0x184: {  	v8 =	vmul.f32 v24, v0;
	_ =	sdelay $0x1  }
0x185: {  	v7 =	vmul.f32 v8, v24  }
0x186: {  	v25 =	vpop (erf)  }
0x187: {  	v7 =	vsub.f32 v5, v7;
	v26 =	vmul.f32 v25, v25;
	v8 =	vmul.f32 v25, v6;
	_ =	sdelay $0x1  }
0x188: {  	v7 =	vadd.f32 v8, v7;
	v27 =	vmul.f32 v26, v4;
	_ =	sdelay $0x1  }
0x189: {  	v7 =	vadd.f32 v27, v7;
	_ =	sdelay $0x1  }
0x18a: {  	v7 =	vmul.f32 $1.442695020e+00, v7  }
0x18b: {  	v28 =	vld [tilespmem:s2+$0x7]  }
0x18c: {  	(erf) = vpow2.f32 v7;
	_ =	sdelay $0x3  }
0x18d: {  	v29 =	vsub.f32 v1, v28;
	_ =	sdelay $0x1  }
0x18e: {  	v8 =	vmul.f32 v29, v0;
	_ =	sdelay $0x1  }
0x18f: {  	v7 =	vmul.f32 v8, v29  }
0x190: {  	v30 =	vpop (erf)  }
0x191: {  	v7 =	vsub.f32 v5, v7;
	v31 =	vmul.f32 v30, v30;
	v8 =	vmul.f32 v30, v6;
	_ =	sdelay $0x1  }
0x192: {  	v7 =	vadd.f32 v8, v7;
	v32 =	vmul.f32 v31, v4;
	_ =	sdelay $0x1  }
0x193: {  	v7 =	vadd.f32 v32, v7;
	_ =	sdelay $0x1  }
0x194: {  	v7 =	vmul.f32 $1.442695020e+00, v7  }
0x195: {  	v33 =	vld [tilespmem:s2+$0x8]  }
0x196: {  	(erf) = vpow2.f32 v7;
	_ =	sdelay $0x3  }
0x197: {  	v34 =	vsub.f32 v1, v33;
	_ =	sdelay $0x1  }
0x198: {  	v8 =	vmul.f32 v34, v0;
	_ =	sdelay $0x1  }
0x199: {  	v7 =	vmul.f32 v8, v34  }
0x19a: {  	v35 =	vpop (erf)  }
0x19b: {  	v7 =	vsub.f32 v5, v7;
	v36 =	vmul.f32 v35, v35;
	v8 =	vmul.f32 v35, v6;
	_ =	sdelay $0x1  }
0x19c: {  	v7 =	vadd.f32 v8, v7;
	v37 =	vmul.f32 v36, v4;
	_ =	sdelay $0x1  }
0x19d: {  	v7 =	vadd.f32 v37, v7;
	_ =	sdelay $0x1  }
0x19e: {  	v7 =	vmul.f32 $1.442695020e+00, v7  }
0x19f: {  	v38 =	vld [tilespmem:s2+$0x9]  }
0x1a0: {  	(erf) = vpow2.f32 v7;
	_ =	sdelay $0x3  }
0x1a1: {  	v39 =	vsub.f32 v1, v38;
	_ =	sdelay $0x1  }
0x1a2: {  	v8 =	vmul.f32 v39, v0;
	_ =	sdelay $0x1  }
0x1a3: {  	v7 =	vmul.f32 v8, v39  }
0x1a4: {  	v40 =	vpop (erf)  }
0x1a5: {  	v7 =	vsub.f32 v5, v7;
	v41 =	vmul.f32 v40, v40;
	v8 =	vmul.f32 v40, v6;
	_ =	sdelay $0x1  }
0x1a6: {  	v7 =	vadd.f32 v8, v7;
	v42 =	vmul.f32 v41, v4;
	_ =	sdelay $0x1  }
0x1a7: {  	v7 =	vadd.f32 v42, v7;
	_ =	sdelay $0x1  }
0x1a8: {  	v7 =	vmul.f32 $1.442695020e+00, v7  }
0x1a9: {  	v43 =	vld [tilespmem:s2+$0xA]  }
0x1aa: {  	(erf) = vpow2.f32 v7;
	_ =	sdelay $0x3  }
0x1ab: {  	v44 =	vsub.f32 v1, v43;
	_ =	sdelay $0x1  }
0x1ac: {  	v8 =	vmul.f32 v44, v0;
	_ =	sdelay $0x1  }
0x1ad: {  	v7 =	vmul.f32 v8, v44  }
0x1ae: {  	v45 =	vpop (erf)  }
0x1af: {  	v7 =	vsub.f32 v5, v7;
	v46 =	vmul.f32 v45, v45;
	v8 =	vmul.f32 v45, v6;
	_ =	sdelay $0x1  }
0x1b0: {  	v7 =	vadd.f32 v8, v7;
	v47 =	vmul.f32 v46, v4;
	_ =	sdelay $0x1  }
0x1b1: {  	v7 =	vadd.f32 v47, v7;
	_ =	sdelay $0x1  }
0x1b2: {  	v7 =	vmul.f32 $1.442695020e+00, v7  }
0x1b3: {  	v48 =	vld [tilespmem:s2+$0xB]  }
0x1b4: {  	(erf) = vpow2.f32 v7;
	_ =	sdelay $0x3  }
0x1b5: {  	v49 =	vsub.f32 v1, v48;
	_ =	sdelay $0x1  }
0x1b6: {  	v8 =	vmul.f32 v49, v0;
	_ =	sdelay $0x1  }
0x1b7: {  	v7 =	vmul.f32 v8, v49  }
0x1b8: {  	v50 =	vpop (erf)  }
0x1b9: {  	v7 =	vsub.f32 v5, v7;
	v51 =	vmul.f32 v50, v50;
	v8 =	vmul.f32 v50, v6;
	_ =	sdelay $0x1  }
0x1ba: {  	v7 =	vadd.f32 v8, v7;
	v52 =	vmul.f32 v51, v4;
	_ =	sdelay $0x1  }
0x1bb: {  	v7 =	vadd.f32 v52, v7;
	_ =	sdelay $0x1  }
0x1bc: {  	v7 =	vmul.f32 $1.442695020e+00, v7  }
0x1bd: {  	v53 =	vld [tilespmem:s2+$0xC]  }
0x1be: {  	(erf) = vpow2.f32 v7;
	_ =	sdelay $0x3  }
0x1bf: {  	v54 =	vsub.f32 v1, v53;
	_ =	sdelay $0x1  }
0x1c0: {  	v8 =	vmul.f32 v54, v0;
	_ =	sdelay $0x1  }
0x1c1: {  	v7 =	vmul.f32 v8, v54  }
0x1c2: {  	v55 =	vpop (erf)  }
0x1c3: {  	v7 =	vsub.f32 v5, v7;
	v56 =	vmul.f32 v55, v55;
	v8 =	vmul.f32 v55, v6;
	_ =	sdelay $0x1  }
0x1c4: {  	v7 =	vadd.f32 v8, v7;
	v57 =	vmul.f32 v56, v4;
	_ =	sdelay $0x1  }
0x1c5: {  	v7 =	vadd.f32 v57, v7;
	_ =	sdelay $0x1  }
0x1c6: {  	v7 =	vmul.f32 $1.442695020e+00, v7  }
0x1c7: {  	v58 =	vld [tilespmem:s2+$0xD]  }
0x1c8: {  	(erf) = vpow2.f32 v7;
	_ =	sdelay $0x3  }
0x1c9: {  	v59 =	vsub.f32 v1, v58;
	_ =	sdelay $0x1  }
0x1ca: {  	v8 =	vmul.f32 v59, v0;
	_ =	sdelay $0x1  }
0x1cb: {  	v7 =	vmul.f32 v8, v59  }
0x1cc: {  	v60 =	vpop (erf)  }
0x1cd: {  	v7 =	vsub.f32 v5, v7;
	v61 =	vmul.f32 v60, v60;
	v8 =	vmul.f32 v60, v6;
	_ =	sdelay $0x1  }
0x1ce: {  	v7 =	vadd.f32 v8, v7;
	v62 =	vmul.f32 v61, v4;
	_ =	sdelay $0x1  }
0x1cf: {  	v7 =	vadd.f32 v62, v7;
	_ =	sdelay $0x1  }
0x1d0: {  	v7 =	vmul.f32 $1.442695020e+00, v7  }
0x1d1: {  	v63 =	vld [tilespmem:s2+$0xE]  }
0x1d2: {  	(erf) = vpow2.f32 v7;
	_ =	sdelay $0x3  }
0x1d3: {  	v12 =	vsub.f32 v1, v63;
	_ =	sdelay $0x1  }
0x1d4: {  	v8 =	vmul.f32 v12, v0;
	_ =	sdelay $0x1  }
0x1d5: {  	v7 =	vmul.f32 v8, v12  }
0x1d6: {  	v13 =	vpop (erf)  }
0x1d7: {  	v7 =	vsub.f32 v5, v7;
	v14 =	vmul.f32 v13, v13;
	v8 =	vmul.f32 v13, v6;
	_ =	sdelay $0x1  }
0x1d8: {  	v7 =	vadd.f32 v8, v7;
	v15 =	vmul.f32 v14, v4;
	_ =	sdelay $0x1  }
0x1d9: {  	v7 =	vadd.f32 v15, v7;
	_ =	sdelay $0x1  }
0x1da: {  	v7 =	vmul.f32 $1.442695020e+00, v7  }
0x1db: {  	v16 =	vld [tilespmem:s2+$0xF]  }
0x1dc: {  	(erf) = vpow2.f32 v7;
	_ =	sdelay $0x3  }
0x1dd: {  	v17 =	vsub.f32 v1, v16;
	_ =	sdelay $0x1  }
0x1de: {  	v8 =	vmul.f32 v17, v0;
	_ =	sdelay $0x1  }
0x1df: {  	v7 =	vmul.f32 v8, v17  }
0x1e0: {  	v18 =	vpop (erf)  }
0x1e1: {  	v7 =	vsub.f32 v5, v7;
	v19 =	vmul.f32 v18, v18;
	v8 =	vmul.f32 v18, v6;
	_ =	sdelay $0x1  }
0x1e2: {  	v7 =	vadd.f32 v8, v7;
	v20 =	vmul.f32 v19, v4;
	_ =	sdelay $0x1  }
0x1e3: {  	v7 =	vadd.f32 v20, v7;
	_ =	sdelay $0x1  }
0x1e4: {  	v7 =	vmul.f32 $1.442695020e+00, v7  }
0x1e5: {  	v21 =	vld [tilespmem:s2+$0x10]  }
0x1e6: {  	(erf) = vpow2.f32 v7;
	_ =	sdelay $0x3  }
0x1e7: {  	v22 =	vsub.f32 v1, v21;
	_ =	sdelay $0x1  }
0x1e8: {  	v8 =	vmul.f32 v22, v0;
	_ =	sdelay $0x1  }
0x1e9: {  	v7 =	vmul.f32 v8, v22  }
0x1ea: {  	v23 =	vpop (erf)  }
0x1eb: {  	v7 =	vsub.f32 v5, v7;
	v24 =	vmul.f32 v23, v23;
	v8 =	vmul.f32 v23, v6;
	_ =	sdelay $0x1  }
0x1ec: {  	v7 =	vadd.f32 v8, v7;
	v25 =	vmul.f32 v24, v4;
	_ =	sdelay $0x1  }
0x1ed: {  	v7 =	vadd.f32 v25, v7;
	_ =	sdelay $0x1  }
0x1ee: {  	v7 =	vmul.f32 $1.442695020e+00, v7  }
0x1ef: {  	v26 =	vld [tilespmem:s2+$0x11]  }
0x1f0: {  	(erf) = vpow2.f32 v7;
	_ =	sdelay $0x3  }
0x1f1: {  	v27 =	vsub.f32 v1, v26;
	_ =	sdelay $0x1  }
0x1f2: {  	v8 =	vmul.f32 v27, v0;
	_ =	sdelay $0x1  }
0x1f3: {  	v7 =	vmul.f32 v8, v27  }
0x1f4: {  	v28 =	vpop (erf)  }
0x1f5: {  	v7 =	vsub.f32 v5, v7;
	v29 =	vmul.f32 v28, v28;
	v8 =	vmul.f32 v28, v6;
	_ =	sdelay $0x1  }
0x1f6: {  	v7 =	vadd.f32 v8, v7;
	v30 =	vmul.f32 v29, v4;
	_ =	sdelay $0x1  }
0x1f7: {  	v7 =	vadd.f32 v30, v7;
	_ =	sdelay $0x1  }
0x1f8: {  	v7 =	vmul.f32 $1.442695020e+00, v7  }
0x1f9: {  	v31 =	vld [tilespmem:s2+$0x12]  }
0x1fa: {  	(erf) = vpow2.f32 v7;
	_ =	sdelay $0x3  }
0x1fb: {  	v32 =	vsub.f32 v1, v31;
	_ =	sdelay $0x1  }
0x1fc: {  	v8 =	vmul.f32 v32, v0;
	_ =	sdelay $0x1  }
0x1fd: {  	v7 =	vmul.f32 v8, v32  }
0x1fe: {  	v33 =	vpop (erf)  }
0x1ff: {  	v7 =	vsub.f32 v5, v7;
	v34 =	vmul.f32 v33, v33;
	v8 =	vmul.f32 v33, v6;
	_ =	sdelay $0x1  }
0x200: {  	v7 =	vadd.f32 v8, v7;
	v35 =	vmul.f32 v34, v4;
	_ =	sdelay $0x1  }
0x201: {  	v7 =	vadd.f32 v35, v7;
	_ =	sdelay $0x1  }
0x202: {  	v7 =	vmul.f32 $1.442695020e+00, v7  }
0x203: {  	v36 =	vld [tilespmem:s2+$0x13]  }
0x204: {  	(erf) = vpow2.f32 v7;
	_ =	sdelay $0x3  }
0x205: {  	v37 =	vsub.f32 v1, v36;
	_ =	sdelay $0x1  }
0x206: {  	v8 =	vmul.f32 v37, v0;
	_ =	sdelay $0x1  }
0x207: {  	v7 =	vmul.f32 v8, v37  }
0x208: {  	v38 =	vpop (erf)  }
0x209: {  	v7 =	vsub.f32 v5, v7;
	v39 =	vmul.f32 v38, v38;
	v8 =	vmul.f32 v38, v6;
	_ =	sdelay $0x1  }
0x20a: {  	v7 =	vadd.f32 v8, v7;
	v40 =	vmul.f32 v39, v4;
	_ =	sdelay $0x1  }
0x20b: {  	v7 =	vadd.f32 v40, v7;
	_ =	sdelay $0x1  }
0x20c: {  	v7 =	vmul.f32 $1.442695020e+00, v7  }
0x20d: {  	v41 =	vld [tilespmem:s2+$0x14]  }
0x20e: {  	(erf) = vpow2.f32 v7;
	_ =	sdelay $0x3  }
0x20f: {  	v42 =	vsub.f32 v1, v41;
	_ =	sdelay $0x1  }
0x210: {  	v8 =	vmul.f32 v42, v0;
	_ =	sdelay $0x1  }
0x211: {  	v7 =	vmul.f32 v8, v42  }
0x212: {  	v43 =	vpop (erf)  }
0x213: {  	v7 =	vsub.f32 v5, v7;
	v44 =	vmul.f32 v43, v43;
	v8 =	vmul.f32 v43, v6;
	_ =	sdelay $0x1  }
0x214: {  	v7 =	vadd.f32 v8, v7;
	v45 =	vmul.f32 v44, v4;
	_ =	sdelay $0x1  }
0x215: {  	v7 =	vadd.f32 v45, v7;
	_ =	sdelay $0x1  }
0x216: {  	v7 =	vmul.f32 $1.442695020e+00, v7  }
0x217: {  	v46 =	vld [tilespmem:s2+$0x15]  }
0x218: {  	(erf) = vpow2.f32 v7;
	_ =	sdelay $0x3  }
0x219: {  	v47 =	vsub.f32 v1, v46;
	_ =	sdelay $0x1  }
0x21a: {  	v8 =	vmul.f32 v47, v0;
	_ =	sdelay $0x1  }
0x21b: {  	v7 =	vmul.f32 v8, v47  }
0x21c: {  	v48 =	vpop (erf)  }
0x21d: {  	v7 =	vsub.f32 v5, v7;
	v49 =	vmul.f32 v48, v48;
	v8 =	vmul.f32 v48, v6;
	_ =	sdelay $0x1  }
0x21e: {  	v7 =	vadd.f32 v8, v7;
	v50 =	vmul.f32 v49, v4;
	_ =	sdelay $0x1  }
0x21f: {  	v7 =	vadd.f32 v50, v7;
	_ =	sdelay $0x1  }
0x220: {  	v7 =	vmul.f32 $1.442695020e+00, v7  }
0x221: {  	v51 =	vld [tilespmem:s2+$0x16]  }
0x222: {  	(erf) = vpow2.f32 v7;
	_ =	sdelay $0x3  }
0x223: {  	v52 =	vsub.f32 v1, v51;
	_ =	sdelay $0x1  }
0x224: {  	v8 =	vmul.f32 v52, v0;
	_ =	sdelay $0x1  }
0x225: {  	v7 =	vmul.f32 v8, v52  }
0x226: {  	v53 =	vpop (erf)  }
0x227: {  	v7 =	vsub.f32 v5, v7;
	v54 =	vmul.f32 v53, v53;
	v8 =	vmul.f32 v53, v6;
	_ =	sdelay $0x1  }
0x228: {  	v7 =	vadd.f32 v8, v7;
	v55 =	vmul.f32 v54, v4;
	_ =	sdelay $0x1  }
0x229: {  	v7 =	vadd.f32 v55, v7;
	_ =	sdelay $0x1  }
0x22a: {  	v7 =	vmul.f32 $1.442695020e+00, v7  }
0x22b: {  	v56 =	vld [tilespmem:s2+$0x17]  }
0x22c: {  	(erf) = vpow2.f32 v7;
	_ =	sdelay $0x3  }
0x22d: {  	v57 =	vsub.f32 v1, v56;
	_ =	sdelay $0x1  }
0x22e: {  	v58 =	vmul.f32 v57, v0;
	_ =	sdelay $0x1  }
0x22f: {  	v0 =	vmul.f32 v58, v57  }
0x230: {  	v59 =	vpop (erf)  }
0x231: {  	v0 =	vsub.f32 v5, v0;
	v60 =	vmul.f32 v59, v59;
	v1 =	vmul.f32 v59, v6;
	_ =	sdelay $0x1  }
0x232: {  	v0 =	vadd.f32 v1, v0;
	v61 =	vmul.f32 v60, v4;
	_ =	sdelay $0x1  }
0x233: {  	v0 =	vadd.f32 v61, v0;
	_ =	sdelay $0x1  }
0x234: {  	v0 =	vmul.f32 $1.442695020e+00, v0;
	_ =	sdelay $0x1  }
0x235: {  	(erf) = vpow2.f32 v0;
	_ =	sdelay $0x7  }
0x236: {  	v62 =	vadd.f32 v3, v2  }
0x237: {  	v63 =	vpop (erf)  }
0x238: {  	v0 =	vmul.f32 v63, v62;
	_ =	sdelay $0x1  }
0x239: {  	s30 =	simm.s32 $0x0;
	s3 =	simm.s32 $0xA00;
	s31 =	simm.s32 $0x2;
	[tilespmem:$0xA00] =	vst v0  }
0x23a: {  	[hbm4b:s1+s30] =	stream.linear.scatter [tilespmem:s3], [sflag:$0x2], $0x1, $0x38;
	[tilespmem:$0xA80] =	vst v63  }
0x23b: {  	_ =	swait.ge [sflag:s31], $0x1  }
0x23c: {  	[sflag:s31] =	ssyncset.done $0x0  }
0x23d: {  	[sflag:s31] =	ssyncadd.s32 $0xFFFFFFFF  }
.LBB2_4:
0x23e: {  	_ =	sfence.sel $0x180000  }
0x23f: {  	[bflag:$0x0] =	sbarrier.arrive $0xFFFF  }
0x240: {  	_ =	strace $0x90000047  }
0x241: {  	s0 =	sadd.s32 @!p0 $0x100000, s0;
	[bflag:$0x2] =	sbarrier.arrive $0xFFFF  }
0x242: {  	[sflag:s0] =	ssyncadd.tile.s32 @!p0 $0x1;
	_ =	shalt  }
.Lfunc_end2:
_tile_overlayer_lowered:
.L_overlay_start_2:
0x243: {  	(tag) =	ssettag $0x2  }
0x244: {  	s0 =	rddreg [dreg:$0x0];
	s2 =	stileid.u32  }
0x245: {  	s1 =	rddreg [dreg:$0x1];
	p0 =	sne.s32 s2, $0x0  }
0x246: {  	s3 =	rddreg [dreg:$0x2];
	[bflag:$0x3] =	sbarrier.arrive $0xFFFF;
	s2 =	simm.s32 @!p0 $0x1C02  }
0x247: {  	[timem:s3], [sflag:s2] =	dma.local @!p0 [hbm:s0], s1  }
0x248: {  	s0 =	simm.s32 @!p0 $0x2  }
0x249: {  	_ =	swait.ge @!p0 [sflag:s0], s1  }
0x24a: {  	s1 =	ssub.s32 @!p0 $0x0, s1;
	[sflag:s0] =	ssyncset.done @!p0 $0x0  }
0x24b: {  	[sflag:s0] =	ssyncadd.s32 @!p0 s1  }
0x24c: {  	[bflag:$0x3] =	sbarrier.arrive $0xFFFF  }
0x24d: {  	_ =	shalt  }

</sc_bundles>
